<compile_context>
chip_gen: v7x
topology: tpu7x:2x2x1
jax: 0.10.2.dev20260603
libtpu: 0.0.44.dev20260713+nightly
codegen_flags: <defaults>
</compile_context>

<pallas_src>
import functools

import jax
import jax.numpy as jnp
from jax import lax
from jax.experimental import pallas as pl
from jax.experimental.pallas import tpu as pltpu
from jax.experimental.pallas import tpu_sc as plsc

_D = 4096
_NC = 2
_NS = 16
_NW = _NC * _NS

_B_TOTAL = 4 * 8192
_BPW = _B_TOTAL // _NW
_C = 8
_NCH = _BPW // _C
_NBUF = 3

_mesh = plsc.VectorSubcoreMesh(
    core_axis_name="c", subcore_axis_name="s",
    num_cores=_NC, num_subcores=_NS,
)


@functools.partial(
    pl.kernel,
    out_type=jax.ShapeDtypeStruct((_B_TOTAL, _D), jnp.float32),
    mesh=_mesh,
    scratch_types=[
        pltpu.VMEM((_BPW,), jnp.int32),
        pltpu.VMEM((_NBUF, _C, _D), jnp.float32),
        pltpu.SemaphoreType.DMA,
        pltpu.SemaphoreType.DMA,
    ],
)
def _sc_gather(idx_hbm, table_hbm, out_hbm, idx_v, rows_v, gsem, ssem):
    wid = lax.axis_index("s") * _NC + lax.axis_index("c")
    base = wid * _BPW

    pltpu.sync_copy(idx_hbm.at[pl.ds(base, _BPW)], idx_v)

    def start_gather(ci, b):
        pltpu.async_copy(
            table_hbm.at[idx_v.at[pl.ds(ci * _C, _C)]], rows_v.at[b], gsem)

    def wait_gather(b):
        pltpu.make_async_copy(
            table_hbm.at[pl.ds(0, _C)], rows_v.at[b], gsem).wait()

    def start_scatter(ci, b):
        pltpu.async_copy(
            rows_v.at[b], out_hbm.at[pl.ds(base + ci * _C, _C)], ssem)

    def wait_scatter(b):
        pltpu.make_async_copy(
            rows_v.at[b], out_hbm.at[pl.ds(base, _C)], ssem).wait()

    for b in range(_NBUF):
        start_gather(b, b)

    _MAIN = ((_NCH - _NBUF) // _NBUF) * _NBUF

    @pl.loop(0, _MAIN, step=_NBUF)
    def _(g):
        for b in range(_NBUF):
            ci = g + b
            wait_gather(b)
            start_scatter(ci, b)
            wait_scatter(b)
            start_gather(ci + _NBUF, b)

    for ci in range(_MAIN, _NCH):
        b = ci % _NBUF
        wait_gather(b)
        start_scatter(ci, b)
        wait_scatter(b)
        if ci + _NBUF < _NCH:
            start_gather(ci + _NBUF, b)


def kernel(pos_ids, W):
    idx = pos_ids.reshape(-1).astype(jnp.int32)
    out = _sc_gather(idx, W)
    return out.reshape(pos_ids.shape + (W.shape[-1],))

# --- scband reference (transcript-rebuilt; emitter-appended) ---
"""Pipeline reference for scband-position-embedding-25031069401440 (READ-ONLY COPY).

The authoritative reference and input builder live on the scoring server;
editing this copy changes nothing except your own understanding.
"""

import jax, jax.numpy as jnp
import numpy as np

MAX_LEN = 8192
D_MODEL = 4096
BATCH = 4
SEQ_LEN = 8192


def setup_inputs(seed: int = 0) -> dict:
    key = jax.random.key(seed)
    k1, k2 = jax.random.split(key)
    pos_ids = jax.random.randint(k1, (BATCH, SEQ_LEN), 0, MAX_LEN, dtype=jnp.int64 if jax.config.jax_enable_x64 else jnp.int32)
    stdv = 1.0 / np.sqrt(D_MODEL)
    bound = float(np.sqrt(3) * stdv)
    W = jax.random.uniform(k2, (MAX_LEN, D_MODEL), minval=-bound, maxval=bound, dtype=jnp.float32)
    return {"pos_ids": pos_ids, "W": W}


def reference(pos_ids, W):
    # Faithful to torch: pos_ids[pos_ids >= max_len] = -1, then learned-table gather.
    # Negative index -1 wraps to the last row, matching torch advanced indexing.
    pos = jnp.where(pos_ids >= MAX_LEN, -1, pos_ids)
    return W[pos]

if __name__ == "__main__":
    import jax
    _d = setup_inputs()
    print(jax.jit(kernel)(*tuple(_d.values())))

</pallas_src>

<mosaic_0001>
#map = affine_map<(d0, d1) -> (0)>
#map1 = affine_map<(d0, d1) -> (0, 0)>
module attributes {stable_mosaic.version = 14 : i64} {
  func.func @_sc_gather(%arg0: i32, %arg1: i32, %arg2: memref<32768xi32, #tpu.memory_space<hbm>>, %arg3: memref<8192x4096xf32, #tpu.memory_space<hbm>>, %arg4: memref<32768x4096xf32, #tpu.memory_space<hbm>>, %arg5: memref<1024xi32, #tpu.memory_space<vmem>>, %arg6: memref<3x8x4096xf32, #tpu.memory_space<vmem>>, %arg7: memref<!tpu.dma_semaphore, #tpu.memory_space<semaphore_mem>>, %arg8: memref<!tpu.dma_semaphore, #tpu.memory_space<semaphore_mem>>) attributes {dimension_semantics = [#tpu.dimension_semantics<core_parallel>, #tpu.dimension_semantics<subcore_parallel>], iteration_bounds = array<i64: 2, 16>, scalar_prefetch = 0 : i64, scratch_operands = 4 : i64, tpu.core_type = #tpu.core_type<sc_vector_subcore>, window_params = [{transform_indices = #map}, {transform_indices = #map1}, {transform_indices = #map1}]} {
    %mul3A = arith.constant 2 : i32
    %mul3A_0 = arith.muli %arg1, %mul3A : i32
    %add3A = arith.addi %mul3A_0, %arg0 : i32
    %mul3A_1 = arith.constant 1024 : i32
    %mul3A_2 = arith.muli %add3A, %mul3A_1 : i32
    "tpu.region"() ({
      %run_scoped3A = tpu.sem_alloc : memref<!tpu.dma_semaphore, #tpu.memory_space<semaphore_mem>>
      %dma_start3A_270 = tpu.memref_slice %arg2[%mul3A_2] : memref<32768xi32, #tpu.memory_space<hbm>> -> memref<1024xi32, #tpu.memory_space<hbm>>
      %dma_start3A_271 = tpu.memref_slice %arg2[%mul3A_2] : memref<32768xi32, #tpu.memory_space<hbm>> -> memref<1024xi32, #tpu.memory_space<hbm>>
      tpu.enqueue_dma source(%dma_start3A_271 : memref<1024xi32, #tpu.memory_space<hbm>>) target(%arg5 : memref<1024xi32, #tpu.memory_space<vmem>>) target_semaphore(%run_scoped3A : memref<!tpu.dma_semaphore, #tpu.memory_space<semaphore_mem>>)
      %dma_wait3A_272 = tpu.memref_slice %arg2[%mul3A_2] : memref<32768xi32, #tpu.memory_space<hbm>> -> memref<1024xi32, #tpu.memory_space<hbm>>
      %dma_wait3A_273 = tpu.memref_slice %arg2[%mul3A_2] : memref<32768xi32, #tpu.memory_space<hbm>> -> memref<1024xi32, #tpu.memory_space<hbm>>
      tpu.wait_dma2 semaphore(%run_scoped3A : memref<!tpu.dma_semaphore, #tpu.memory_space<semaphore_mem>>) src(%dma_wait3A_273 : memref<1024xi32, #tpu.memory_space<hbm>>) dst(%arg5 : memref<1024xi32, #tpu.memory_space<vmem>>)
      tpu.yield
    }) : () -> ()
    %dma_start3A = arith.constant 0 : i32
    %dma_start3A_3 = arith.constant 0 : i32
    %dma_start3A_4 = arith.constant 0 : i32
    %dma_start3A_5 = tpu.memref_slice %arg6[%dma_start3A, %dma_start3A_3, %dma_start3A_4] : memref<3x8x4096xf32, #tpu.memory_space<vmem>> -> memref<1x8x4096xf32, #tpu.memory_space<vmem>>
    %dma_start3A_6 = tpu.memref_squeeze %dma_start3A_5 : memref<1x8x4096xf32, #tpu.memory_space<vmem>> -> memref<8x4096xf32, #tpu.memory_space<vmem>>
    %dma_start3A_7 = arith.constant 0 : i32
    %dma_start3A_8 = tpu.memref_slice %arg5[%dma_start3A_7] : memref<1024xi32, #tpu.memory_space<vmem>> -> memref<8xi32, #tpu.memory_space<vmem>>
    %dma_start3A_9 = arith.constant 0 : i32
    %dma_start3A_10 = arith.constant 0 : i32
    %dma_start3A_11 = tpu.memref_slice %arg3[%dma_start3A_9, %dma_start3A_10] : memref<8192x4096xf32, #tpu.memory_space<hbm>> -> memref<8192x4096xf32, #tpu.memory_space<hbm>>
    tpu.enqueue_indirect_dma source(%dma_start3A_11 : memref<8192x4096xf32, #tpu.memory_space<hbm>>) target(%dma_start3A_6 : memref<8x4096xf32, #tpu.memory_space<vmem>>) offsets(%dma_start3A_8 : memref<8xi32, #tpu.memory_space<vmem>>) semaphore(%arg7 : memref<!tpu.dma_semaphore, #tpu.memory_space<semaphore_mem>>)
    %dma_start3A_12 = arith.constant 1 : i32
    %dma_start3A_13 = arith.constant 0 : i32
    %dma_start3A_14 = arith.constant 0 : i32
    %dma_start3A_15 = tpu.memref_slice %arg6[%dma_start3A_12, %dma_start3A_13, %dma_start3A_14] : memref<3x8x4096xf32, #tpu.memory_space<vmem>> -> memref<1x8x4096xf32, #tpu.memory_space<vmem>>
    %dma_start3A_16 = tpu.memref_squeeze %dma_start3A_15 : memref<1x8x4096xf32, #tpu.memory_space<vmem>> -> memref<8x4096xf32, #tpu.memory_space<vmem>>
    %dma_start3A_17 = arith.constant 8 : i32
    %dma_start3A_18 = tpu.memref_slice %arg5[%dma_start3A_17] : memref<1024xi32, #tpu.memory_space<vmem>> -> memref<8xi32, #tpu.memory_space<vmem>>
    %dma_start3A_19 = arith.constant 0 : i32
    %dma_start3A_20 = arith.constant 0 : i32
    %dma_start3A_21 = tpu.memref_slice %arg3[%dma_start3A_19, %dma_start3A_20] : memref<8192x4096xf32, #tpu.memory_space<hbm>> -> memref<8192x4096xf32, #tpu.memory_space<hbm>>
    tpu.enqueue_indirect_dma source(%dma_start3A_21 : memref<8192x4096xf32, #tpu.memory_space<hbm>>) target(%dma_start3A_16 : memref<8x4096xf32, #tpu.memory_space<vmem>>) offsets(%dma_start3A_18 : memref<8xi32, #tpu.memory_space<vmem>>) semaphore(%arg7 : memref<!tpu.dma_semaphore, #tpu.memory_space<semaphore_mem>>)
    %dma_start3A_22 = arith.constant 2 : i32
    %dma_start3A_23 = arith.constant 0 : i32
    %dma_start3A_24 = arith.constant 0 : i32
    %dma_start3A_25 = tpu.memref_slice %arg6[%dma_start3A_22, %dma_start3A_23, %dma_start3A_24] : memref<3x8x4096xf32, #tpu.memory_space<vmem>> -> memref<1x8x4096xf32, #tpu.memory_space<vmem>>
    %dma_start3A_26 = tpu.memref_squeeze %dma_start3A_25 : memref<1x8x4096xf32, #tpu.memory_space<vmem>> -> memref<8x4096xf32, #tpu.memory_space<vmem>>
    %dma_start3A_27 = arith.constant 16 : i32
    %dma_start3A_28 = tpu.memref_slice %arg5[%dma_start3A_27] : memref<1024xi32, #tpu.memory_space<vmem>> -> memref<8xi32, #tpu.memory_space<vmem>>
    %dma_start3A_29 = arith.constant 0 : i32
    %dma_start3A_30 = arith.constant 0 : i32
    %dma_start3A_31 = tpu.memref_slice %arg3[%dma_start3A_29, %dma_start3A_30] : memref<8192x4096xf32, #tpu.memory_space<hbm>> -> memref<8192x4096xf32, #tpu.memory_space<hbm>>
    tpu.enqueue_indirect_dma source(%dma_start3A_31 : memref<8192x4096xf32, #tpu.memory_space<hbm>>) target(%dma_start3A_26 : memref<8x4096xf32, #tpu.memory_space<vmem>>) offsets(%dma_start3A_28 : memref<8xi32, #tpu.memory_space<vmem>>) semaphore(%arg7 : memref<!tpu.dma_semaphore, #tpu.memory_space<semaphore_mem>>)
    %scan3A = arith.constant 0 : i32
    %scan3A_32 = arith.constant 41 : i32
    %scan3A_33 = arith.addi %scan3A, %scan3A_32 : i32
    %scan3A_34 = arith.constant 1 : i32
    scf.for %scan3A_270 = %scan3A to %scan3A_33 step %scan3A_34  : i32 {
      %mul3A_271 = arith.constant 3 : i32
      %mul3A_272 = arith.muli %scan3A_270, %mul3A_271 : i32
      %add3A_273 = arith.constant 0 : i32
      %add3A_274 = arith.addi %add3A_273, %mul3A_272 : i32
      %add3A_275 = arith.constant 0 : i32
      %add3A_276 = arith.addi %add3A_274, %add3A_275 : i32
      %dma_wait3A_277 = arith.constant 0 : i32
      %dma_wait3A_278 = arith.constant 0 : i32
      %dma_wait3A_279 = arith.constant 0 : i32
      %dma_wait3A_280 = tpu.memref_slice %arg6[%dma_wait3A_277, %dma_wait3A_278, %dma_wait3A_279] : memref<3x8x4096xf32, #tpu.memory_space<vmem>> -> memref<1x8x4096xf32, #tpu.memory_space<vmem>>
      %dma_wait3A_281 = tpu.memref_squeeze %dma_wait3A_280 : memref<1x8x4096xf32, #tpu.memory_space<vmem>> -> memref<8x4096xf32, #tpu.memory_space<vmem>>
      %dma_wait3A_282 = arith.constant 0 : i32
      %dma_wait3A_283 = arith.constant 0 : i32
      %dma_wait3A_284 = tpu.memref_slice %arg3[%dma_wait3A_282, %dma_wait3A_283] : memref<8192x4096xf32, #tpu.memory_space<hbm>> -> memref<8x4096xf32, #tpu.memory_space<hbm>>
      %dma_wait3A_285 = arith.constant 0 : i32
      %dma_wait3A_286 = arith.constant 0 : i32
      %dma_wait3A_287 = tpu.memref_slice %arg6[%dma_wait3A_277, %dma_wait3A_285, %dma_wait3A_286] : memref<3x8x4096xf32, #tpu.memory_space<vmem>> -> memref<1x8x4096xf32, #tpu.memory_space<vmem>>
      %dma_wait3A_288 = tpu.memref_squeeze %dma_wait3A_287 : memref<1x8x4096xf32, #tpu.memory_space<vmem>> -> memref<8x4096xf32, #tpu.memory_space<vmem>>
      %dma_wait3A_289 = arith.constant 0 : i32
      %dma_wait3A_290 = arith.constant 0 : i32
      %dma_wait3A_291 = tpu.memref_slice %arg3[%dma_wait3A_289, %dma_wait3A_290] : memref<8192x4096xf32, #tpu.memory_space<hbm>> -> memref<8x4096xf32, #tpu.memory_space<hbm>>
      tpu.wait_dma2 semaphore(%arg7 : memref<!tpu.dma_semaphore, #tpu.memory_space<semaphore_mem>>) src(%dma_wait3A_291 : memref<8x4096xf32, #tpu.memory_space<hbm>>) dst(%dma_wait3A_288 : memref<8x4096xf32, #tpu.memory_space<vmem>>)
      %mul3A_292 = arith.constant 8 : i32
      %mul3A_293 = arith.muli %add3A_276, %mul3A_292 : i32
      %add3A_294 = arith.addi %mul3A_2, %mul3A_293 : i32
      %dma_start3A_295 = arith.constant 0 : i32
      %dma_start3A_296 = arith.constant 0 : i32
      %dma_start3A_297 = arith.constant 0 : i32
      %dma_start3A_298 = tpu.memref_slice %arg6[%dma_start3A_295, %dma_start3A_296, %dma_start3A_297] : memref<3x8x4096xf32, #tpu.memory_space<vmem>> -> memref<1x8x4096xf32, #tpu.memory_space<vmem>>
      %dma_start3A_299 = tpu.memref_squeeze %dma_start3A_298 : memref<1x8x4096xf32, #tpu.memory_space<vmem>> -> memref<8x4096xf32, #tpu.memory_space<vmem>>
      %dma_start3A_300 = arith.constant 0 : i32
      %dma_start3A_301 = tpu.memref_slice %arg4[%add3A_294, %dma_start3A_300] : memref<32768x4096xf32, #tpu.memory_space<hbm>> -> memref<8x4096xf32, #tpu.memory_space<hbm>>
      %dma_start3A_302 = arith.constant 0 : i32
      %dma_start3A_303 = tpu.memref_slice %arg4[%add3A_294, %dma_start3A_302] : memref<32768x4096xf32, #tpu.memory_space<hbm>> -> memref<8x4096xf32, #tpu.memory_space<hbm>>
      %dma_start3A_304 = arith.constant 0 : i32
      %dma_start3A_305 = arith.constant 0 : i32
      %dma_start3A_306 = tpu.memref_slice %arg6[%dma_start3A_295, %dma_start3A_304, %dma_start3A_305] : memref<3x8x4096xf32, #tpu.memory_space<vmem>> -> memref<1x8x4096xf32, #tpu.memory_space<vmem>>
      %dma_start3A_307 = tpu.memref_squeeze %dma_start3A_306 : memref<1x8x4096xf32, #tpu.memory_space<vmem>> -> memref<8x4096xf32, #tpu.memory_space<vmem>>
      tpu.enqueue_dma source(%dma_start3A_307 : memref<8x4096xf32, #tpu.memory_space<vmem>>) target(%dma_start3A_303 : memref<8x4096xf32, #tpu.memory_space<hbm>>) target_semaphore(%arg8 : memref<!tpu.dma_semaphore, #tpu.memory_space<semaphore_mem>>)
      %dma_wait3A_308 = arith.constant 0 : i32
      %dma_wait3A_309 = arith.constant 0 : i32
      %dma_wait3A_310 = arith.constant 0 : i32
      %dma_wait3A_311 = tpu.memref_slice %arg6[%dma_wait3A_308, %dma_wait3A_309, %dma_wait3A_310] : memref<3x8x4096xf32, #tpu.memory_space<vmem>> -> memref<1x8x4096xf32, #tpu.memory_space<vmem>>
      %dma_wait3A_312 = tpu.memref_squeeze %dma_wait3A_311 : memref<1x8x4096xf32, #tpu.memory_space<vmem>> -> memref<8x4096xf32, #tpu.memory_space<vmem>>
      %dma_wait3A_313 = arith.constant 0 : i32
      %dma_wait3A_314 = tpu.memref_slice %arg4[%mul3A_2, %dma_wait3A_313] : memref<32768x4096xf32, #tpu.memory_space<hbm>> -> memref<8x4096xf32, #tpu.memory_space<hbm>>
      %dma_wait3A_315 = arith.constant 0 : i32
      %dma_wait3A_316 = tpu.memref_slice %arg4[%mul3A_2, %dma_wait3A_315] : memref<32768x4096xf32, #tpu.memory_space<hbm>> -> memref<8x4096xf32, #tpu.memory_space<hbm>>
      %dma_wait3A_317 = arith.constant 0 : i32
      %dma_wait3A_318 = arith.constant 0 : i32
      %dma_wait3A_319 = tpu.memref_slice %arg6[%dma_wait3A_308, %dma_wait3A_317, %dma_wait3A_318] : memref<3x8x4096xf32, #tpu.memory_space<vmem>> -> memref<1x8x4096xf32, #tpu.memory_space<vmem>>
      %dma_wait3A_320 = tpu.memref_squeeze %dma_wait3A_319 : memref<1x8x4096xf32, #tpu.memory_space<vmem>> -> memref<8x4096xf32, #tpu.memory_space<vmem>>
      tpu.wait_dma2 semaphore(%arg8 : memref<!tpu.dma_semaphore, #tpu.memory_space<semaphore_mem>>) src(%dma_wait3A_320 : memref<8x4096xf32, #tpu.memory_space<vmem>>) dst(%dma_wait3A_316 : memref<8x4096xf32, #tpu.memory_space<hbm>>)
      %add3A_321 = arith.constant 3 : i32
      %add3A_322 = arith.addi %add3A_276, %add3A_321 : i32
      %mul3A_323 = arith.constant 8 : i32
      %mul3A_324 = arith.muli %add3A_322, %mul3A_323 : i32
      %dma_start3A_325 = arith.constant 0 : i32
      %dma_start3A_326 = arith.constant 0 : i32
      %dma_start3A_327 = arith.constant 0 : i32
      %dma_start3A_328 = tpu.memref_slice %arg6[%dma_start3A_325, %dma_start3A_326, %dma_start3A_327] : memref<3x8x4096xf32, #tpu.memory_space<vmem>> -> memref<1x8x4096xf32, #tpu.memory_space<vmem>>
      %dma_start3A_329 = tpu.memref_squeeze %dma_start3A_328 : memref<1x8x4096xf32, #tpu.memory_space<vmem>> -> memref<8x4096xf32, #tpu.memory_space<vmem>>
      %dma_start3A_330 = tpu.memref_slice %arg5[%mul3A_324] : memref<1024xi32, #tpu.memory_space<vmem>> -> memref<8xi32, #tpu.memory_space<vmem>>
      %dma_start3A_331 = arith.constant 0 : i32
      %dma_start3A_332 = arith.constant 0 : i32
      %dma_start3A_333 = tpu.memref_slice %arg3[%dma_start3A_331, %dma_start3A_332] : memref<8192x4096xf32, #tpu.memory_space<hbm>> -> memref<8192x4096xf32, #tpu.memory_space<hbm>>
      tpu.enqueue_indirect_dma source(%dma_start3A_333 : memref<8192x4096xf32, #tpu.memory_space<hbm>>) target(%dma_start3A_329 : memref<8x4096xf32, #tpu.memory_space<vmem>>) offsets(%dma_start3A_330 : memref<8xi32, #tpu.memory_space<vmem>>) semaphore(%arg7 : memref<!tpu.dma_semaphore, #tpu.memory_space<semaphore_mem>>)
      %add3A_334 = arith.constant 1 : i32
      %add3A_335 = arith.addi %add3A_274, %add3A_334 : i32
      %dma_wait3A_336 = arith.constant 1 : i32
      %dma_wait3A_337 = arith.constant 0 : i32
      %dma_wait3A_338 = arith.constant 0 : i32
      %dma_wait3A_339 = tpu.memref_slice %arg6[%dma_wait3A_336, %dma_wait3A_337, %dma_wait3A_338] : memref<3x8x4096xf32, #tpu.memory_space<vmem>> -> memref<1x8x4096xf32, #tpu.memory_space<vmem>>
      %dma_wait3A_340 = tpu.memref_squeeze %dma_wait3A_339 : memref<1x8x4096xf32, #tpu.memory_space<vmem>> -> memref<8x4096xf32, #tpu.memory_space<vmem>>
      %dma_wait3A_341 = arith.constant 0 : i32
      %dma_wait3A_342 = arith.constant 0 : i32
      %dma_wait3A_343 = tpu.memref_slice %arg3[%dma_wait3A_341, %dma_wait3A_342] : memref<8192x4096xf32, #tpu.memory_space<hbm>> -> memref<8x4096xf32, #tpu.memory_space<hbm>>
      %dma_wait3A_344 = arith.constant 0 : i32
      %dma_wait3A_345 = arith.constant 0 : i32
      %dma_wait3A_346 = tpu.memref_slice %arg6[%dma_wait3A_336, %dma_wait3A_344, %dma_wait3A_345] : memref<3x8x4096xf32, #tpu.memory_space<vmem>> -> memref<1x8x4096xf32, #tpu.memory_space<vmem>>
      %dma_wait3A_347 = tpu.memref_squeeze %dma_wait3A_346 : memref<1x8x4096xf32, #tpu.memory_space<vmem>> -> memref<8x4096xf32, #tpu.memory_space<vmem>>
      %dma_wait3A_348 = arith.constant 0 : i32
      %dma_wait3A_349 = arith.constant 0 : i32
      %dma_wait3A_350 = tpu.memref_slice %arg3[%dma_wait3A_348, %dma_wait3A_349] : memref<8192x4096xf32, #tpu.memory_space<hbm>> -> memref<8x4096xf32, #tpu.memory_space<hbm>>
      tpu.wait_dma2 semaphore(%arg7 : memref<!tpu.dma_semaphore, #tpu.memory_space<semaphore_mem>>) src(%dma_wait3A_350 : memref<8x4096xf32, #tpu.memory_space<hbm>>) dst(%dma_wait3A_347 : memref<8x4096xf32, #tpu.memory_space<vmem>>)
      %mul3A_351 = arith.constant 8 : i32
      %mul3A_352 = arith.muli %add3A_335, %mul3A_351 : i32
      %add3A_353 = arith.addi %mul3A_2, %mul3A_352 : i32
      %dma_start3A_354 = arith.constant 1 : i32
      %dma_start3A_355 = arith.constant 0 : i32
      %dma_start3A_356 = arith.constant 0 : i32
      %dma_start3A_357 = tpu.memref_slice %arg6[%dma_start3A_354, %dma_start3A_355, %dma_start3A_356] : memref<3x8x4096xf32, #tpu.memory_space<vmem>> -> memref<1x8x4096xf32, #tpu.memory_space<vmem>>
      %dma_start3A_358 = tpu.memref_squeeze %dma_start3A_357 : memref<1x8x4096xf32, #tpu.memory_space<vmem>> -> memref<8x4096xf32, #tpu.memory_space<vmem>>
      %dma_start3A_359 = arith.constant 0 : i32
      %dma_start3A_360 = tpu.memref_slice %arg4[%add3A_353, %dma_start3A_359] : memref<32768x4096xf32, #tpu.memory_space<hbm>> -> memref<8x4096xf32, #tpu.memory_space<hbm>>
      %dma_start3A_361 = arith.constant 0 : i32
      %dma_start3A_362 = tpu.memref_slice %arg4[%add3A_353, %dma_start3A_361] : memref<32768x4096xf32, #tpu.memory_space<hbm>> -> memref<8x4096xf32, #tpu.memory_space<hbm>>
      %dma_start3A_363 = arith.constant 0 : i32
      %dma_start3A_364 = arith.constant 0 : i32
      %dma_start3A_365 = tpu.memref_slice %arg6[%dma_start3A_354, %dma_start3A_363, %dma_start3A_364] : memref<3x8x4096xf32, #tpu.memory_space<vmem>> -> memref<1x8x4096xf32, #tpu.memory_space<vmem>>
      %dma_start3A_366 = tpu.memref_squeeze %dma_start3A_365 : memref<1x8x4096xf32, #tpu.memory_space<vmem>> -> memref<8x4096xf32, #tpu.memory_space<vmem>>
      tpu.enqueue_dma source(%dma_start3A_366 : memref<8x4096xf32, #tpu.memory_space<vmem>>) target(%dma_start3A_362 : memref<8x4096xf32, #tpu.memory_space<hbm>>) target_semaphore(%arg8 : memref<!tpu.dma_semaphore, #tpu.memory_space<semaphore_mem>>)
      %dma_wait3A_367 = arith.constant 1 : i32
      %dma_wait3A_368 = arith.constant 0 : i32
      %dma_wait3A_369 = arith.constant 0 : i32
      %dma_wait3A_370 = tpu.memref_slice %arg6[%dma_wait3A_367, %dma_wait3A_368, %dma_wait3A_369] : memref<3x8x4096xf32, #tpu.memory_space<vmem>> -> memref<1x8x4096xf32, #tpu.memory_space<vmem>>
      %dma_wait3A_371 = tpu.memref_squeeze %dma_wait3A_370 : memref<1x8x4096xf32, #tpu.memory_space<vmem>> -> memref<8x4096xf32, #tpu.memory_space<vmem>>
      %dma_wait3A_372 = arith.constant 0 : i32
      %dma_wait3A_373 = tpu.memref_slice %arg4[%mul3A_2, %dma_wait3A_372] : memref<32768x4096xf32, #tpu.memory_space<hbm>> -> memref<8x4096xf32, #tpu.memory_space<hbm>>
      %dma_wait3A_374 = arith.constant 0 : i32
      %dma_wait3A_375 = tpu.memref_slice %arg4[%mul3A_2, %dma_wait3A_374] : memref<32768x4096xf32, #tpu.memory_space<hbm>> -> memref<8x4096xf32, #tpu.memory_space<hbm>>
      %dma_wait3A_376 = arith.constant 0 : i32
      %dma_wait3A_377 = arith.constant 0 : i32
      %dma_wait3A_378 = tpu.memref_slice %arg6[%dma_wait3A_367, %dma_wait3A_376, %dma_wait3A_377] : memref<3x8x4096xf32, #tpu.memory_space<vmem>> -> memref<1x8x4096xf32, #tpu.memory_space<vmem>>
      %dma_wait3A_379 = tpu.memref_squeeze %dma_wait3A_378 : memref<1x8x4096xf32, #tpu.memory_space<vmem>> -> memref<8x4096xf32, #tpu.memory_space<vmem>>
      tpu.wait_dma2 semaphore(%arg8 : memref<!tpu.dma_semaphore, #tpu.memory_space<semaphore_mem>>) src(%dma_wait3A_379 : memref<8x4096xf32, #tpu.memory_space<vmem>>) dst(%dma_wait3A_375 : memref<8x4096xf32, #tpu.memory_space<hbm>>)
      %add3A_380 = arith.constant 3 : i32
      %add3A_381 = arith.addi %add3A_335, %add3A_380 : i32
      %mul3A_382 = arith.constant 8 : i32
      %mul3A_383 = arith.muli %add3A_381, %mul3A_382 : i32
      %dma_start3A_384 = arith.constant 1 : i32
      %dma_start3A_385 = arith.constant 0 : i32
      %dma_start3A_386 = arith.constant 0 : i32
      %dma_start3A_387 = tpu.memref_slice %arg6[%dma_start3A_384, %dma_start3A_385, %dma_start3A_386] : memref<3x8x4096xf32, #tpu.memory_space<vmem>> -> memref<1x8x4096xf32, #tpu.memory_space<vmem>>
      %dma_start3A_388 = tpu.memref_squeeze %dma_start3A_387 : memref<1x8x4096xf32, #tpu.memory_space<vmem>> -> memref<8x4096xf32, #tpu.memory_space<vmem>>
      %dma_start3A_389 = tpu.memref_slice %arg5[%mul3A_383] : memref<1024xi32, #tpu.memory_space<vmem>> -> memref<8xi32, #tpu.memory_space<vmem>>
      %dma_start3A_390 = arith.constant 0 : i32
      %dma_start3A_391 = arith.constant 0 : i32
      %dma_start3A_392 = tpu.memref_slice %arg3[%dma_start3A_390, %dma_start3A_391] : memref<8192x4096xf32, #tpu.memory_space<hbm>> -> memref<8192x4096xf32, #tpu.memory_space<hbm>>
      tpu.enqueue_indirect_dma source(%dma_start3A_392 : memref<8192x4096xf32, #tpu.memory_space<hbm>>) target(%dma_start3A_388 : memref<8x4096xf32, #tpu.memory_space<vmem>>) offsets(%dma_start3A_389 : memref<8xi32, #tpu.memory_space<vmem>>) semaphore(%arg7 : memref<!tpu.dma_semaphore, #tpu.memory_space<semaphore_mem>>)
      %add3A_393 = arith.constant 2 : i32
      %add3A_394 = arith.addi %add3A_274, %add3A_393 : i32
      %dma_wait3A_395 = arith.constant 2 : i32
      %dma_wait3A_396 = arith.constant 0 : i32
      %dma_wait3A_397 = arith.constant 0 : i32
      %dma_wait3A_398 = tpu.memref_slice %arg6[%dma_wait3A_395, %dma_wait3A_396, %dma_wait3A_397] : memref<3x8x4096xf32, #tpu.memory_space<vmem>> -> memref<1x8x4096xf32, #tpu.memory_space<vmem>>
      %dma_wait3A_399 = tpu.memref_squeeze %dma_wait3A_398 : memref<1x8x4096xf32, #tpu.memory_space<vmem>> -> memref<8x4096xf32, #tpu.memory_space<vmem>>
      %dma_wait3A_400 = arith.constant 0 : i32
      %dma_wait3A_401 = arith.constant 0 : i32
      %dma_wait3A_402 = tpu.memref_slice %arg3[%dma_wait3A_400, %dma_wait3A_401] : memref<8192x4096xf32, #tpu.memory_space<hbm>> -> memref<8x4096xf32, #tpu.memory_space<hbm>>
      %dma_wait3A_403 = arith.constant 0 : i32
      %dma_wait3A_404 = arith.constant 0 : i32
      %dma_wait3A_405 = tpu.memref_slice %arg6[%dma_wait3A_395, %dma_wait3A_403, %dma_wait3A_404] : memref<3x8x4096xf32, #tpu.memory_space<vmem>> -> memref<1x8x4096xf32, #tpu.memory_space<vmem>>
      %dma_wait3A_406 = tpu.memref_squeeze %dma_wait3A_405 : memref<1x8x4096xf32, #tpu.memory_space<vmem>> -> memref<8x4096xf32, #tpu.memory_space<vmem>>
      %dma_wait3A_407 = arith.constant 0 : i32
      %dma_wait3A_408 = arith.constant 0 : i32
      %dma_wait3A_409 = tpu.memref_slice %arg3[%dma_wait3A_407, %dma_wait3A_408] : memref<8192x4096xf32, #tpu.memory_space<hbm>> -> memref<8x4096xf32, #tpu.memory_space<hbm>>
      tpu.wait_dma2 semaphore(%arg7 : memref<!tpu.dma_semaphore, #tpu.memory_space<semaphore_mem>>) src(%dma_wait3A_409 : memref<8x4096xf32, #tpu.memory_space<hbm>>) dst(%dma_wait3A_406 : memref<8x4096xf32, #tpu.memory_space<vmem>>)
      %mul3A_410 = arith.constant 8 : i32
      %mul3A_411 = arith.muli %add3A_394, %mul3A_410 : i32
      %add3A_412 = arith.addi %mul3A_2, %mul3A_411 : i32
      %dma_start3A_413 = arith.constant 2 : i32
      %dma_start3A_414 = arith.constant 0 : i32
      %dma_start3A_415 = arith.constant 0 : i32
      %dma_start3A_416 = tpu.memref_slice %arg6[%dma_start3A_413, %dma_start3A_414, %dma_start3A_415] : memref<3x8x4096xf32, #tpu.memory_space<vmem>> -> memref<1x8x4096xf32, #tpu.memory_space<vmem>>
      %dma_start3A_417 = tpu.memref_squeeze %dma_start3A_416 : memref<1x8x4096xf32, #tpu.memory_space<vmem>> -> memref<8x4096xf32, #tpu.memory_space<vmem>>
      %dma_start3A_418 = arith.constant 0 : i32
      %dma_start3A_419 = tpu.memref_slice %arg4[%add3A_412, %dma_start3A_418] : memref<32768x4096xf32, #tpu.memory_space<hbm>> -> memref<8x4096xf32, #tpu.memory_space<hbm>>
      %dma_start3A_420 = arith.constant 0 : i32
      %dma_start3A_421 = tpu.memref_slice %arg4[%add3A_412, %dma_start3A_420] : memref<32768x4096xf32, #tpu.memory_space<hbm>> -> memref<8x4096xf32, #tpu.memory_space<hbm>>
      %dma_start3A_422 = arith.constant 0 : i32
      %dma_start3A_423 = arith.constant 0 : i32
      %dma_start3A_424 = tpu.memref_slice %arg6[%dma_start3A_413, %dma_start3A_422, %dma_start3A_423] : memref<3x8x4096xf32, #tpu.memory_space<vmem>> -> memref<1x8x4096xf32, #tpu.memory_space<vmem>>
      %dma_start3A_425 = tpu.memref_squeeze %dma_start3A_424 : memref<1x8x4096xf32, #tpu.memory_space<vmem>> -> memref<8x4096xf32, #tpu.memory_space<vmem>>
      tpu.enqueue_dma source(%dma_start3A_425 : memref<8x4096xf32, #tpu.memory_space<vmem>>) target(%dma_start3A_421 : memref<8x4096xf32, #tpu.memory_space<hbm>>) target_semaphore(%arg8 : memref<!tpu.dma_semaphore, #tpu.memory_space<semaphore_mem>>)
      %dma_wait3A_426 = arith.constant 2 : i32
      %dma_wait3A_427 = arith.constant 0 : i32
      %dma_wait3A_428 = arith.constant 0 : i32
      %dma_wait3A_429 = tpu.memref_slice %arg6[%dma_wait3A_426, %dma_wait3A_427, %dma_wait3A_428] : memref<3x8x4096xf32, #tpu.memory_space<vmem>> -> memref<1x8x4096xf32, #tpu.memory_space<vmem>>
      %dma_wait3A_430 = tpu.memref_squeeze %dma_wait3A_429 : memref<1x8x4096xf32, #tpu.memory_space<vmem>> -> memref<8x4096xf32, #tpu.memory_space<vmem>>
      %dma_wait3A_431 = arith.constant 0 : i32
      %dma_wait3A_432 = tpu.memref_slice %arg4[%mul3A_2, %dma_wait3A_431] : memref<32768x4096xf32, #tpu.memory_space<hbm>> -> memref<8x4096xf32, #tpu.memory_space<hbm>>
      %dma_wait3A_433 = arith.constant 0 : i32
      %dma_wait3A_434 = tpu.memref_slice %arg4[%mul3A_2, %dma_wait3A_433] : memref<32768x4096xf32, #tpu.memory_space<hbm>> -> memref<8x4096xf32, #tpu.memory_space<hbm>>
      %dma_wait3A_435 = arith.constant 0 : i32
      %dma_wait3A_436 = arith.constant 0 : i32
      %dma_wait3A_437 = tpu.memref_slice %arg6[%dma_wait3A_426, %dma_wait3A_435, %dma_wait3A_436] : memref<3x8x4096xf32, #tpu.memory_space<vmem>> -> memref<1x8x4096xf32, #tpu.memory_space<vmem>>
      %dma_wait3A_438 = tpu.memref_squeeze %dma_wait3A_437 : memref<1x8x4096xf32, #tpu.memory_space<vmem>> -> memref<8x4096xf32, #tpu.memory_space<vmem>>
      tpu.wait_dma2 semaphore(%arg8 : memref<!tpu.dma_semaphore, #tpu.memory_space<semaphore_mem>>) src(%dma_wait3A_438 : memref<8x4096xf32, #tpu.memory_space<vmem>>) dst(%dma_wait3A_434 : memref<8x4096xf32, #tpu.memory_space<hbm>>)
      %add3A_439 = arith.constant 3 : i32
      %add3A_440 = arith.addi %add3A_394, %add3A_439 : i32
      %mul3A_441 = arith.constant 8 : i32
      %mul3A_442 = arith.muli %add3A_440, %mul3A_441 : i32
      %dma_start3A_443 = arith.constant 2 : i32
      %dma_start3A_444 = arith.constant 0 : i32
      %dma_start3A_445 = arith.constant 0 : i32
      %dma_start3A_446 = tpu.memref_slice %arg6[%dma_start3A_443, %dma_start3A_444, %dma_start3A_445] : memref<3x8x4096xf32, #tpu.memory_space<vmem>> -> memref<1x8x4096xf32, #tpu.memory_space<vmem>>
      %dma_start3A_447 = tpu.memref_squeeze %dma_start3A_446 : memref<1x8x4096xf32, #tpu.memory_space<vmem>> -> memref<8x4096xf32, #tpu.memory_space<vmem>>
      %dma_start3A_448 = tpu.memref_slice %arg5[%mul3A_442] : memref<1024xi32, #tpu.memory_space<vmem>> -> memref<8xi32, #tpu.memory_space<vmem>>
      %dma_start3A_449 = arith.constant 0 : i32
      %dma_start3A_450 = arith.constant 0 : i32
      %dma_start3A_451 = tpu.memref_slice %arg3[%dma_start3A_449, %dma_start3A_450] : memref<8192x4096xf32, #tpu.memory_space<hbm>> -> memref<8192x4096xf32, #tpu.memory_space<hbm>>
      tpu.enqueue_indirect_dma source(%dma_start3A_451 : memref<8192x4096xf32, #tpu.memory_space<hbm>>) target(%dma_start3A_447 : memref<8x4096xf32, #tpu.memory_space<vmem>>) offsets(%dma_start3A_448 : memref<8xi32, #tpu.memory_space<vmem>>) semaphore(%arg7 : memref<!tpu.dma_semaphore, #tpu.memory_space<semaphore_mem>>)
    }
    %scan3A_35 = arith.constant 41 : i32
    %dma_wait3A = arith.constant 0 : i32
    %dma_wait3A_36 = arith.constant 0 : i32
    %dma_wait3A_37 = arith.constant 0 : i32
    %dma_wait3A_38 = tpu.memref_slice %arg6[%dma_wait3A, %dma_wait3A_36, %dma_wait3A_37] : memref<3x8x4096xf32, #tpu.memory_space<vmem>> -> memref<1x8x4096xf32, #tpu.memory_space<vmem>>
    %dma_wait3A_39 = tpu.memref_squeeze %dma_wait3A_38 : memref<1x8x4096xf32, #tpu.memory_space<vmem>> -> memref<8x4096xf32, #tpu.memory_space<vmem>>
    %dma_wait3A_40 = arith.constant 0 : i32
    %dma_wait3A_41 = arith.constant 0 : i32
    %dma_wait3A_42 = tpu.memref_slice %arg3[%dma_wait3A_40, %dma_wait3A_41] : memref<8192x4096xf32, #tpu.memory_space<hbm>> -> memref<8x4096xf32, #tpu.memory_space<hbm>>
    %dma_wait3A_43 = arith.constant 0 : i32
    %dma_wait3A_44 = arith.constant 0 : i32
    %dma_wait3A_45 = tpu.memref_slice %arg6[%dma_wait3A, %dma_wait3A_43, %dma_wait3A_44] : memref<3x8x4096xf32, #tpu.memory_space<vmem>> -> memref<1x8x4096xf32, #tpu.memory_space<vmem>>
    %dma_wait3A_46 = tpu.memref_squeeze %dma_wait3A_45 : memref<1x8x4096xf32, #tpu.memory_space<vmem>> -> memref<8x4096xf32, #tpu.memory_space<vmem>>
    %dma_wait3A_47 = arith.constant 0 : i32
    %dma_wait3A_48 = arith.constant 0 : i32
    %dma_wait3A_49 = tpu.memref_slice %arg3[%dma_wait3A_47, %dma_wait3A_48] : memref<8192x4096xf32, #tpu.memory_space<hbm>> -> memref<8x4096xf32, #tpu.memory_space<hbm>>
    tpu.wait_dma2 semaphore(%arg7 : memref<!tpu.dma_semaphore, #tpu.memory_space<semaphore_mem>>) src(%dma_wait3A_49 : memref<8x4096xf32, #tpu.memory_space<hbm>>) dst(%dma_wait3A_46 : memref<8x4096xf32, #tpu.memory_space<vmem>>)
    %add3A_50 = arith.constant 984 : i32
    %add3A_51 = arith.addi %mul3A_2, %add3A_50 : i32
    %dma_start3A_52 = arith.constant 0 : i32
    %dma_start3A_53 = arith.constant 0 : i32
    %dma_start3A_54 = arith.constant 0 : i32
    %dma_start3A_55 = tpu.memref_slice %arg6[%dma_start3A_52, %dma_start3A_53, %dma_start3A_54] : memref<3x8x4096xf32, #tpu.memory_space<vmem>> -> memref<1x8x4096xf32, #tpu.memory_space<vmem>>
    %dma_start3A_56 = tpu.memref_squeeze %dma_start3A_55 : memref<1x8x4096xf32, #tpu.memory_space<vmem>> -> memref<8x4096xf32, #tpu.memory_space<vmem>>
    %dma_start3A_57 = arith.constant 0 : i32
    %dma_start3A_58 = tpu.memref_slice %arg4[%add3A_51, %dma_start3A_57] : memref<32768x4096xf32, #tpu.memory_space<hbm>> -> memref<8x4096xf32, #tpu.memory_space<hbm>>
    %dma_start3A_59 = arith.constant 0 : i32
    %dma_start3A_60 = tpu.memref_slice %arg4[%add3A_51, %dma_start3A_59] : memref<32768x4096xf32, #tpu.memory_space<hbm>> -> memref<8x4096xf32, #tpu.memory_space<hbm>>
    %dma_start3A_61 = arith.constant 0 : i32
    %dma_start3A_62 = arith.constant 0 : i32
    %dma_start3A_63 = tpu.memref_slice %arg6[%dma_start3A_52, %dma_start3A_61, %dma_start3A_62] : memref<3x8x4096xf32, #tpu.memory_space<vmem>> -> memref<1x8x4096xf32, #tpu.memory_space<vmem>>
    %dma_start3A_64 = tpu.memref_squeeze %dma_start3A_63 : memref<1x8x4096xf32, #tpu.memory_space<vmem>> -> memref<8x4096xf32, #tpu.memory_space<vmem>>
    tpu.enqueue_dma source(%dma_start3A_64 : memref<8x4096xf32, #tpu.memory_space<vmem>>) target(%dma_start3A_60 : memref<8x4096xf32, #tpu.memory_space<hbm>>) target_semaphore(%arg8 : memref<!tpu.dma_semaphore, #tpu.memory_space<semaphore_mem>>)
    %dma_wait3A_65 = arith.constant 0 : i32
    %dma_wait3A_66 = arith.constant 0 : i32
    %dma_wait3A_67 = arith.constant 0 : i32
    %dma_wait3A_68 = tpu.memref_slice %arg6[%dma_wait3A_65, %dma_wait3A_66, %dma_wait3A_67] : memref<3x8x4096xf32, #tpu.memory_space<vmem>> -> memref<1x8x4096xf32, #tpu.memory_space<vmem>>
    %dma_wait3A_69 = tpu.memref_squeeze %dma_wait3A_68 : memref<1x8x4096xf32, #tpu.memory_space<vmem>> -> memref<8x4096xf32, #tpu.memory_space<vmem>>
    %dma_wait3A_70 = arith.constant 0 : i32
    %dma_wait3A_71 = tpu.memref_slice %arg4[%mul3A_2, %dma_wait3A_70] : memref<32768x4096xf32, #tpu.memory_space<hbm>> -> memref<8x4096xf32, #tpu.memory_space<hbm>>
    %dma_wait3A_72 = arith.constant 0 : i32
    %dma_wait3A_73 = tpu.memref_slice %arg4[%mul3A_2, %dma_wait3A_72] : memref<32768x4096xf32, #tpu.memory_space<hbm>> -> memref<8x4096xf32, #tpu.memory_space<hbm>>
    %dma_wait3A_74 = arith.constant 0 : i32
    %dma_wait3A_75 = arith.constant 0 : i32
    %dma_wait3A_76 = tpu.memref_slice %arg6[%dma_wait3A_65, %dma_wait3A_74, %dma_wait3A_75] : memref<3x8x4096xf32, #tpu.memory_space<vmem>> -> memref<1x8x4096xf32, #tpu.memory_space<vmem>>
    %dma_wait3A_77 = tpu.memref_squeeze %dma_wait3A_76 : memref<1x8x4096xf32, #tpu.memory_space<vmem>> -> memref<8x4096xf32, #tpu.memory_space<vmem>>
    tpu.wait_dma2 semaphore(%arg8 : memref<!tpu.dma_semaphore, #tpu.memory_space<semaphore_mem>>) src(%dma_wait3A_77 : memref<8x4096xf32, #tpu.memory_space<vmem>>) dst(%dma_wait3A_73 : memref<8x4096xf32, #tpu.memory_space<hbm>>)
    %dma_start3A_78 = arith.constant 0 : i32
    %dma_start3A_79 = arith.constant 0 : i32
    %dma_start3A_80 = arith.constant 0 : i32
    %dma_start3A_81 = tpu.memref_slice %arg6[%dma_start3A_78, %dma_start3A_79, %dma_start3A_80] : memref<3x8x4096xf32, #tpu.memory_space<vmem>> -> memref<1x8x4096xf32, #tpu.memory_space<vmem>>
    %dma_start3A_82 = tpu.memref_squeeze %dma_start3A_81 : memref<1x8x4096xf32, #tpu.memory_space<vmem>> -> memref<8x4096xf32, #tpu.memory_space<vmem>>
    %dma_start3A_83 = arith.constant 1008 : i32
    %dma_start3A_84 = tpu.memref_slice %arg5[%dma_start3A_83] : memref<1024xi32, #tpu.memory_space<vmem>> -> memref<8xi32, #tpu.memory_space<vmem>>
    %dma_start3A_85 = arith.constant 0 : i32
    %dma_start3A_86 = arith.constant 0 : i32
    %dma_start3A_87 = tpu.memref_slice %arg3[%dma_start3A_85, %dma_start3A_86] : memref<8192x4096xf32, #tpu.memory_space<hbm>> -> memref<8192x4096xf32, #tpu.memory_space<hbm>>
    tpu.enqueue_indirect_dma source(%dma_start3A_87 : memref<8192x4096xf32, #tpu.memory_space<hbm>>) target(%dma_start3A_82 : memref<8x4096xf32, #tpu.memory_space<vmem>>) offsets(%dma_start3A_84 : memref<8xi32, #tpu.memory_space<vmem>>) semaphore(%arg7 : memref<!tpu.dma_semaphore, #tpu.memory_space<semaphore_mem>>)
    %dma_wait3A_88 = arith.constant 1 : i32
    %dma_wait3A_89 = arith.constant 0 : i32
    %dma_wait3A_90 = arith.constant 0 : i32
    %dma_wait3A_91 = tpu.memref_slice %arg6[%dma_wait3A_88, %dma_wait3A_89, %dma_wait3A_90] : memref<3x8x4096xf32, #tpu.memory_space<vmem>> -> memref<1x8x4096xf32, #tpu.memory_space<vmem>>
    %dma_wait3A_92 = tpu.memref_squeeze %dma_wait3A_91 : memref<1x8x4096xf32, #tpu.memory_space<vmem>> -> memref<8x4096xf32, #tpu.memory_space<vmem>>
    %dma_wait3A_93 = arith.constant 0 : i32
    %dma_wait3A_94 = arith.constant 0 : i32
    %dma_wait3A_95 = tpu.memref_slice %arg3[%dma_wait3A_93, %dma_wait3A_94] : memref<8192x4096xf32, #tpu.memory_space<hbm>> -> memref<8x4096xf32, #tpu.memory_space<hbm>>
    %dma_wait3A_96 = arith.constant 0 : i32
    %dma_wait3A_97 = arith.constant 0 : i32
    %dma_wait3A_98 = tpu.memref_slice %arg6[%dma_wait3A_88, %dma_wait3A_96, %dma_wait3A_97] : memref<3x8x4096xf32, #tpu.memory_space<vmem>> -> memref<1x8x4096xf32, #tpu.memory_space<vmem>>
    %dma_wait3A_99 = tpu.memref_squeeze %dma_wait3A_98 : memref<1x8x4096xf32, #tpu.memory_space<vmem>> -> memref<8x4096xf32, #tpu.memory_space<vmem>>
    %dma_wait3A_100 = arith.constant 0 : i32
    %dma_wait3A_101 = arith.constant 0 : i32
    %dma_wait3A_102 = tpu.memref_slice %arg3[%dma_wait3A_100, %dma_wait3A_101] : memref<8192x4096xf32, #tpu.memory_space<hbm>> -> memref<8x4096xf32, #tpu.memory_space<hbm>>
    tpu.wait_dma2 semaphore(%arg7 : memref<!tpu.dma_semaphore, #tpu.memory_space<semaphore_mem>>) src(%dma_wait3A_102 : memref<8x4096xf32, #tpu.memory_space<hbm>>) dst(%dma_wait3A_99 : memref<8x4096xf32, #tpu.memory_space<vmem>>)
    %add3A_103 = arith.constant 992 : i32
    %add3A_104 = arith.addi %mul3A_2, %add3A_103 : i32
    %dma_start3A_105 = arith.constant 1 : i32
    %dma_start3A_106 = arith.constant 0 : i32
    %dma_start3A_107 = arith.constant 0 : i32
    %dma_start3A_108 = tpu.memref_slice %arg6[%dma_start3A_105, %dma_start3A_106, %dma_start3A_107] : memref<3x8x4096xf32, #tpu.memory_space<vmem>> -> memref<1x8x4096xf32, #tpu.memory_space<vmem>>
    %dma_start3A_109 = tpu.memref_squeeze %dma_start3A_108 : memref<1x8x4096xf32, #tpu.memory_space<vmem>> -> memref<8x4096xf32, #tpu.memory_space<vmem>>
    %dma_start3A_110 = arith.constant 0 : i32
    %dma_start3A_111 = tpu.memref_slice %arg4[%add3A_104, %dma_start3A_110] : memref<32768x4096xf32, #tpu.memory_space<hbm>> -> memref<8x4096xf32, #tpu.memory_space<hbm>>
    %dma_start3A_112 = arith.constant 0 : i32
    %dma_start3A_113 = tpu.memref_slice %arg4[%add3A_104, %dma_start3A_112] : memref<32768x4096xf32, #tpu.memory_space<hbm>> -> memref<8x4096xf32, #tpu.memory_space<hbm>>
    %dma_start3A_114 = arith.constant 0 : i32
    %dma_start3A_115 = arith.constant 0 : i32
    %dma_start3A_116 = tpu.memref_slice %arg6[%dma_start3A_105, %dma_start3A_114, %dma_start3A_115] : memref<3x8x4096xf32, #tpu.memory_space<vmem>> -> memref<1x8x4096xf32, #tpu.memory_space<vmem>>
    %dma_start3A_117 = tpu.memref_squeeze %dma_start3A_116 : memref<1x8x4096xf32, #tpu.memory_space<vmem>> -> memref<8x4096xf32, #tpu.memory_space<vmem>>
    tpu.enqueue_dma source(%dma_start3A_117 : memref<8x4096xf32, #tpu.memory_space<vmem>>) target(%dma_start3A_113 : memref<8x4096xf32, #tpu.memory_space<hbm>>) target_semaphore(%arg8 : memref<!tpu.dma_semaphore, #tpu.memory_space<semaphore_mem>>)
    %dma_wait3A_118 = arith.constant 1 : i32
    %dma_wait3A_119 = arith.constant 0 : i32
    %dma_wait3A_120 = arith.constant 0 : i32
    %dma_wait3A_121 = tpu.memref_slice %arg6[%dma_wait3A_118, %dma_wait3A_119, %dma_wait3A_120] : memref<3x8x4096xf32, #tpu.memory_space<vmem>> -> memref<1x8x4096xf32, #tpu.memory_space<vmem>>
    %dma_wait3A_122 = tpu.memref_squeeze %dma_wait3A_121 : memref<1x8x4096xf32, #tpu.memory_space<vmem>> -> memref<8x4096xf32, #tpu.memory_space<vmem>>
    %dma_wait3A_123 = arith.constant 0 : i32
    %dma_wait3A_124 = tpu.memref_slice %arg4[%mul3A_2, %dma_wait3A_123] : memref<32768x4096xf32, #tpu.memory_space<hbm>> -> memref<8x4096xf32, #tpu.memory_space<hbm>>
    %dma_wait3A_125 = arith.constant 0 : i32
    %dma_wait3A_126 = tpu.memref_slice %arg4[%mul3A_2, %dma_wait3A_125] : memref<32768x4096xf32, #tpu.memory_space<hbm>> -> memref<8x4096xf32, #tpu.memory_space<hbm>>
    %dma_wait3A_127 = arith.constant 0 : i32
    %dma_wait3A_128 = arith.constant 0 : i32
    %dma_wait3A_129 = tpu.memref_slice %arg6[%dma_wait3A_118, %dma_wait3A_127, %dma_wait3A_128] : memref<3x8x4096xf32, #tpu.memory_space<vmem>> -> memref<1x8x4096xf32, #tpu.memory_space<vmem>>
    %dma_wait3A_130 = tpu.memref_squeeze %dma_wait3A_129 : memref<1x8x4096xf32, #tpu.memory_space<vmem>> -> memref<8x4096xf32, #tpu.memory_space<vmem>>
    tpu.wait_dma2 semaphore(%arg8 : memref<!tpu.dma_semaphore, #tpu.memory_space<semaphore_mem>>) src(%dma_wait3A_130 : memref<8x4096xf32, #tpu.memory_space<vmem>>) dst(%dma_wait3A_126 : memref<8x4096xf32, #tpu.memory_space<hbm>>)
    %dma_start3A_131 = arith.constant 1 : i32
    %dma_start3A_132 = arith.constant 0 : i32
    %dma_start3A_133 = arith.constant 0 : i32
    %dma_start3A_134 = tpu.memref_slice %arg6[%dma_start3A_131, %dma_start3A_132, %dma_start3A_133] : memref<3x8x4096xf32, #tpu.memory_space<vmem>> -> memref<1x8x4096xf32, #tpu.memory_space<vmem>>
    %dma_start3A_135 = tpu.memref_squeeze %dma_start3A_134 : memref<1x8x4096xf32, #tpu.memory_space<vmem>> -> memref<8x4096xf32, #tpu.memory_space<vmem>>
    %dma_start3A_136 = arith.constant 1016 : i32
    %dma_start3A_137 = tpu.memref_slice %arg5[%dma_start3A_136] : memref<1024xi32, #tpu.memory_space<vmem>> -> memref<8xi32, #tpu.memory_space<vmem>>
    %dma_start3A_138 = arith.constant 0 : i32
    %dma_start3A_139 = arith.constant 0 : i32
    %dma_start3A_140 = tpu.memref_slice %arg3[%dma_start3A_138, %dma_start3A_139] : memref<8192x4096xf32, #tpu.memory_space<hbm>> -> memref<8192x4096xf32, #tpu.memory_space<hbm>>
    tpu.enqueue_indirect_dma source(%dma_start3A_140 : memref<8192x4096xf32, #tpu.memory_space<hbm>>) target(%dma_start3A_135 : memref<8x4096xf32, #tpu.memory_space<vmem>>) offsets(%dma_start3A_137 : memref<8xi32, #tpu.memory_space<vmem>>) semaphore(%arg7 : memref<!tpu.dma_semaphore, #tpu.memory_space<semaphore_mem>>)
    %dma_wait3A_141 = arith.constant 2 : i32
    %dma_wait3A_142 = arith.constant 0 : i32
    %dma_wait3A_143 = arith.constant 0 : i32
    %dma_wait3A_144 = tpu.memref_slice %arg6[%dma_wait3A_141, %dma_wait3A_142, %dma_wait3A_143] : memref<3x8x4096xf32, #tpu.memory_space<vmem>> -> memref<1x8x4096xf32, #tpu.memory_space<vmem>>
    %dma_wait3A_145 = tpu.memref_squeeze %dma_wait3A_144 : memref<1x8x4096xf32, #tpu.memory_space<vmem>> -> memref<8x4096xf32, #tpu.memory_space<vmem>>
    %dma_wait3A_146 = arith.constant 0 : i32
    %dma_wait3A_147 = arith.constant 0 : i32
    %dma_wait3A_148 = tpu.memref_slice %arg3[%dma_wait3A_146, %dma_wait3A_147] : memref<8192x4096xf32, #tpu.memory_space<hbm>> -> memref<8x4096xf32, #tpu.memory_space<hbm>>
    %dma_wait3A_149 = arith.constant 0 : i32
    %dma_wait3A_150 = arith.constant 0 : i32
    %dma_wait3A_151 = tpu.memref_slice %arg6[%dma_wait3A_141, %dma_wait3A_149, %dma_wait3A_150] : memref<3x8x4096xf32, #tpu.memory_space<vmem>> -> memref<1x8x4096xf32, #tpu.memory_space<vmem>>
    %dma_wait3A_152 = tpu.memref_squeeze %dma_wait3A_151 : memref<1x8x4096xf32, #tpu.memory_space<vmem>> -> memref<8x4096xf32, #tpu.memory_space<vmem>>
    %dma_wait3A_153 = arith.constant 0 : i32
    %dma_wait3A_154 = arith.constant 0 : i32
    %dma_wait3A_155 = tpu.memref_slice %arg3[%dma_wait3A_153, %dma_wait3A_154] : memref<8192x4096xf32, #tpu.memory_space<hbm>> -> memref<8x4096xf32, #tpu.memory_space<hbm>>
    tpu.wait_dma2 semaphore(%arg7 : memref<!tpu.dma_semaphore, #tpu.memory_space<semaphore_mem>>) src(%dma_wait3A_155 : memref<8x4096xf32, #tpu.memory_space<hbm>>) dst(%dma_wait3A_152 : memref<8x4096xf32, #tpu.memory_space<vmem>>)
    %add3A_156 = arith.constant 1000 : i32
    %add3A_157 = arith.addi %mul3A_2, %add3A_156 : i32
    %dma_start3A_158 = arith.constant 2 : i32
    %dma_start3A_159 = arith.constant 0 : i32
    %dma_start3A_160 = arith.constant 0 : i32
    %dma_start3A_161 = tpu.memref_slice %arg6[%dma_start3A_158, %dma_start3A_159, %dma_start3A_160] : memref<3x8x4096xf32, #tpu.memory_space<vmem>> -> memref<1x8x4096xf32, #tpu.memory_space<vmem>>
    %dma_start3A_162 = tpu.memref_squeeze %dma_start3A_161 : memref<1x8x4096xf32, #tpu.memory_space<vmem>> -> memref<8x4096xf32, #tpu.memory_space<vmem>>
    %dma_start3A_163 = arith.constant 0 : i32
    %dma_start3A_164 = tpu.memref_slice %arg4[%add3A_157, %dma_start3A_163] : memref<32768x4096xf32, #tpu.memory_space<hbm>> -> memref<8x4096xf32, #tpu.memory_space<hbm>>
    %dma_start3A_165 = arith.constant 0 : i32
    %dma_start3A_166 = tpu.memref_slice %arg4[%add3A_157, %dma_start3A_165] : memref<32768x4096xf32, #tpu.memory_space<hbm>> -> memref<8x4096xf32, #tpu.memory_space<hbm>>
    %dma_start3A_167 = arith.constant 0 : i32
    %dma_start3A_168 = arith.constant 0 : i32
    %dma_start3A_169 = tpu.memref_slice %arg6[%dma_start3A_158, %dma_start3A_167, %dma_start3A_168] : memref<3x8x4096xf32, #tpu.memory_space<vmem>> -> memref<1x8x4096xf32, #tpu.memory_space<vmem>>
    %dma_start3A_170 = tpu.memref_squeeze %dma_start3A_169 : memref<1x8x4096xf32, #tpu.memory_space<vmem>> -> memref<8x4096xf32, #tpu.memory_space<vmem>>
    tpu.enqueue_dma source(%dma_start3A_170 : memref<8x4096xf32, #tpu.memory_space<vmem>>) target(%dma_start3A_166 : memref<8x4096xf32, #tpu.memory_space<hbm>>) target_semaphore(%arg8 : memref<!tpu.dma_semaphore, #tpu.memory_space<semaphore_mem>>)
    %dma_wait3A_171 = arith.constant 2 : i32
    %dma_wait3A_172 = arith.constant 0 : i32
    %dma_wait3A_173 = arith.constant 0 : i32
    %dma_wait3A_174 = tpu.memref_slice %arg6[%dma_wait3A_171, %dma_wait3A_172, %dma_wait3A_173] : memref<3x8x4096xf32, #tpu.memory_space<vmem>> -> memref<1x8x4096xf32, #tpu.memory_space<vmem>>
    %dma_wait3A_175 = tpu.memref_squeeze %dma_wait3A_174 : memref<1x8x4096xf32, #tpu.memory_space<vmem>> -> memref<8x4096xf32, #tpu.memory_space<vmem>>
    %dma_wait3A_176 = arith.constant 0 : i32
    %dma_wait3A_177 = tpu.memref_slice %arg4[%mul3A_2, %dma_wait3A_176] : memref<32768x4096xf32, #tpu.memory_space<hbm>> -> memref<8x4096xf32, #tpu.memory_space<hbm>>
    %dma_wait3A_178 = arith.constant 0 : i32
    %dma_wait3A_179 = tpu.memref_slice %arg4[%mul3A_2, %dma_wait3A_178] : memref<32768x4096xf32, #tpu.memory_space<hbm>> -> memref<8x4096xf32, #tpu.memory_space<hbm>>
    %dma_wait3A_180 = arith.constant 0 : i32
    %dma_wait3A_181 = arith.constant 0 : i32
    %dma_wait3A_182 = tpu.memref_slice %arg6[%dma_wait3A_171, %dma_wait3A_180, %dma_wait3A_181] : memref<3x8x4096xf32, #tpu.memory_space<vmem>> -> memref<1x8x4096xf32, #tpu.memory_space<vmem>>
    %dma_wait3A_183 = tpu.memref_squeeze %dma_wait3A_182 : memref<1x8x4096xf32, #tpu.memory_space<vmem>> -> memref<8x4096xf32, #tpu.memory_space<vmem>>
    tpu.wait_dma2 semaphore(%arg8 : memref<!tpu.dma_semaphore, #tpu.memory_space<semaphore_mem>>) src(%dma_wait3A_183 : memref<8x4096xf32, #tpu.memory_space<vmem>>) dst(%dma_wait3A_179 : memref<8x4096xf32, #tpu.memory_space<hbm>>)
    %dma_wait3A_184 = arith.constant 0 : i32
    %dma_wait3A_185 = arith.constant 0 : i32
    %dma_wait3A_186 = arith.constant 0 : i32
    %dma_wait3A_187 = tpu.memref_slice %arg6[%dma_wait3A_184, %dma_wait3A_185, %dma_wait3A_186] : memref<3x8x4096xf32, #tpu.memory_space<vmem>> -> memref<1x8x4096xf32, #tpu.memory_space<vmem>>
    %dma_wait3A_188 = tpu.memref_squeeze %dma_wait3A_187 : memref<1x8x4096xf32, #tpu.memory_space<vmem>> -> memref<8x4096xf32, #tpu.memory_space<vmem>>
    %dma_wait3A_189 = arith.constant 0 : i32
    %dma_wait3A_190 = arith.constant 0 : i32
    %dma_wait3A_191 = tpu.memref_slice %arg3[%dma_wait3A_189, %dma_wait3A_190] : memref<8192x4096xf32, #tpu.memory_space<hbm>> -> memref<8x4096xf32, #tpu.memory_space<hbm>>
    %dma_wait3A_192 = arith.constant 0 : i32
    %dma_wait3A_193 = arith.constant 0 : i32
    %dma_wait3A_194 = tpu.memref_slice %arg6[%dma_wait3A_184, %dma_wait3A_192, %dma_wait3A_193] : memref<3x8x4096xf32, #tpu.memory_space<vmem>> -> memref<1x8x4096xf32, #tpu.memory_space<vmem>>
    %dma_wait3A_195 = tpu.memref_squeeze %dma_wait3A_194 : memref<1x8x4096xf32, #tpu.memory_space<vmem>> -> memref<8x4096xf32, #tpu.memory_space<vmem>>
    %dma_wait3A_196 = arith.constant 0 : i32
    %dma_wait3A_197 = arith.constant 0 : i32
    %dma_wait3A_198 = tpu.memref_slice %arg3[%dma_wait3A_196, %dma_wait3A_197] : memref<8192x4096xf32, #tpu.memory_space<hbm>> -> memref<8x4096xf32, #tpu.memory_space<hbm>>
    tpu.wait_dma2 semaphore(%arg7 : memref<!tpu.dma_semaphore, #tpu.memory_space<semaphore_mem>>) src(%dma_wait3A_198 : memref<8x4096xf32, #tpu.memory_space<hbm>>) dst(%dma_wait3A_195 : memref<8x4096xf32, #tpu.memory_space<vmem>>)
    %add3A_199 = arith.constant 1008 : i32
    %add3A_200 = arith.addi %mul3A_2, %add3A_199 : i32
    %dma_start3A_201 = arith.constant 0 : i32
    %dma_start3A_202 = arith.constant 0 : i32
    %dma_start3A_203 = arith.constant 0 : i32
    %dma_start3A_204 = tpu.memref_slice %arg6[%dma_start3A_201, %dma_start3A_202, %dma_start3A_203] : memref<3x8x4096xf32, #tpu.memory_space<vmem>> -> memref<1x8x4096xf32, #tpu.memory_space<vmem>>
    %dma_start3A_205 = tpu.memref_squeeze %dma_start3A_204 : memref<1x8x4096xf32, #tpu.memory_space<vmem>> -> memref<8x4096xf32, #tpu.memory_space<vmem>>
    %dma_start3A_206 = arith.constant 0 : i32
    %dma_start3A_207 = tpu.memref_slice %arg4[%add3A_200, %dma_start3A_206] : memref<32768x4096xf32, #tpu.memory_space<hbm>> -> memref<8x4096xf32, #tpu.memory_space<hbm>>
    %dma_start3A_208 = arith.constant 0 : i32
    %dma_start3A_209 = tpu.memref_slice %arg4[%add3A_200, %dma_start3A_208] : memref<32768x4096xf32, #tpu.memory_space<hbm>> -> memref<8x4096xf32, #tpu.memory_space<hbm>>
    %dma_start3A_210 = arith.constant 0 : i32
    %dma_start3A_211 = arith.constant 0 : i32
    %dma_start3A_212 = tpu.memref_slice %arg6[%dma_start3A_201, %dma_start3A_210, %dma_start3A_211] : memref<3x8x4096xf32, #tpu.memory_space<vmem>> -> memref<1x8x4096xf32, #tpu.memory_space<vmem>>
    %dma_start3A_213 = tpu.memref_squeeze %dma_start3A_212 : memref<1x8x4096xf32, #tpu.memory_space<vmem>> -> memref<8x4096xf32, #tpu.memory_space<vmem>>
    tpu.enqueue_dma source(%dma_start3A_213 : memref<8x4096xf32, #tpu.memory_space<vmem>>) target(%dma_start3A_209 : memref<8x4096xf32, #tpu.memory_space<hbm>>) target_semaphore(%arg8 : memref<!tpu.dma_semaphore, #tpu.memory_space<semaphore_mem>>)
    %dma_wait3A_214 = arith.constant 0 : i32
    %dma_wait3A_215 = arith.constant 0 : i32
    %dma_wait3A_216 = arith.constant 0 : i32
    %dma_wait3A_217 = tpu.memref_slice %arg6[%dma_wait3A_214, %dma_wait3A_215, %dma_wait3A_216] : memref<3x8x4096xf32, #tpu.memory_space<vmem>> -> memref<1x8x4096xf32, #tpu.memory_space<vmem>>
    %dma_wait3A_218 = tpu.memref_squeeze %dma_wait3A_217 : memref<1x8x4096xf32, #tpu.memory_space<vmem>> -> memref<8x4096xf32, #tpu.memory_space<vmem>>
    %dma_wait3A_219 = arith.constant 0 : i32
    %dma_wait3A_220 = tpu.memref_slice %arg4[%mul3A_2, %dma_wait3A_219] : memref<32768x4096xf32, #tpu.memory_space<hbm>> -> memref<8x4096xf32, #tpu.memory_space<hbm>>
    %dma_wait3A_221 = arith.constant 0 : i32
    %dma_wait3A_222 = tpu.memref_slice %arg4[%mul3A_2, %dma_wait3A_221] : memref<32768x4096xf32, #tpu.memory_space<hbm>> -> memref<8x4096xf32, #tpu.memory_space<hbm>>
    %dma_wait3A_223 = arith.constant 0 : i32
    %dma_wait3A_224 = arith.constant 0 : i32
    %dma_wait3A_225 = tpu.memref_slice %arg6[%dma_wait3A_214, %dma_wait3A_223, %dma_wait3A_224] : memref<3x8x4096xf32, #tpu.memory_space<vmem>> -> memref<1x8x4096xf32, #tpu.memory_space<vmem>>
    %dma_wait3A_226 = tpu.memref_squeeze %dma_wait3A_225 : memref<1x8x4096xf32, #tpu.memory_space<vmem>> -> memref<8x4096xf32, #tpu.memory_space<vmem>>
    tpu.wait_dma2 semaphore(%arg8 : memref<!tpu.dma_semaphore, #tpu.memory_space<semaphore_mem>>) src(%dma_wait3A_226 : memref<8x4096xf32, #tpu.memory_space<vmem>>) dst(%dma_wait3A_222 : memref<8x4096xf32, #tpu.memory_space<hbm>>)
    %dma_wait3A_227 = arith.constant 1 : i32
    %dma_wait3A_228 = arith.constant 0 : i32
    %dma_wait3A_229 = arith.constant 0 : i32
    %dma_wait3A_230 = tpu.memref_slice %arg6[%dma_wait3A_227, %dma_wait3A_228, %dma_wait3A_229] : memref<3x8x4096xf32, #tpu.memory_space<vmem>> -> memref<1x8x4096xf32, #tpu.memory_space<vmem>>
    %dma_wait3A_231 = tpu.memref_squeeze %dma_wait3A_230 : memref<1x8x4096xf32, #tpu.memory_space<vmem>> -> memref<8x4096xf32, #tpu.memory_space<vmem>>
    %dma_wait3A_232 = arith.constant 0 : i32
    %dma_wait3A_233 = arith.constant 0 : i32
    %dma_wait3A_234 = tpu.memref_slice %arg3[%dma_wait3A_232, %dma_wait3A_233] : memref<8192x4096xf32, #tpu.memory_space<hbm>> -> memref<8x4096xf32, #tpu.memory_space<hbm>>
    %dma_wait3A_235 = arith.constant 0 : i32
    %dma_wait3A_236 = arith.constant 0 : i32
    %dma_wait3A_237 = tpu.memref_slice %arg6[%dma_wait3A_227, %dma_wait3A_235, %dma_wait3A_236] : memref<3x8x4096xf32, #tpu.memory_space<vmem>> -> memref<1x8x4096xf32, #tpu.memory_space<vmem>>
    %dma_wait3A_238 = tpu.memref_squeeze %dma_wait3A_237 : memref<1x8x4096xf32, #tpu.memory_space<vmem>> -> memref<8x4096xf32, #tpu.memory_space<vmem>>
    %dma_wait3A_239 = arith.constant 0 : i32
    %dma_wait3A_240 = arith.constant 0 : i32
    %dma_wait3A_241 = tpu.memref_slice %arg3[%dma_wait3A_239, %dma_wait3A_240] : memref<8192x4096xf32, #tpu.memory_space<hbm>> -> memref<8x4096xf32, #tpu.memory_space<hbm>>
    tpu.wait_dma2 semaphore(%arg7 : memref<!tpu.dma_semaphore, #tpu.memory_space<semaphore_mem>>) src(%dma_wait3A_241 : memref<8x4096xf32, #tpu.memory_space<hbm>>) dst(%dma_wait3A_238 : memref<8x4096xf32, #tpu.memory_space<vmem>>)
    %add3A_242 = arith.constant 1016 : i32
    %add3A_243 = arith.addi %mul3A_2, %add3A_242 : i32
    %dma_start3A_244 = arith.constant 1 : i32
    %dma_start3A_245 = arith.constant 0 : i32
    %dma_start3A_246 = arith.constant 0 : i32
    %dma_start3A_247 = tpu.memref_slice %arg6[%dma_start3A_244, %dma_start3A_245, %dma_start3A_246] : memref<3x8x4096xf32, #tpu.memory_space<vmem>> -> memref<1x8x4096xf32, #tpu.memory_space<vmem>>
    %dma_start3A_248 = tpu.memref_squeeze %dma_start3A_247 : memref<1x8x4096xf32, #tpu.memory_space<vmem>> -> memref<8x4096xf32, #tpu.memory_space<vmem>>
    %dma_start3A_249 = arith.constant 0 : i32
    %dma_start3A_250 = tpu.memref_slice %arg4[%add3A_243, %dma_start3A_249] : memref<32768x4096xf32, #tpu.memory_space<hbm>> -> memref<8x4096xf32, #tpu.memory_space<hbm>>
    %dma_start3A_251 = arith.constant 0 : i32
    %dma_start3A_252 = tpu.memref_slice %arg4[%add3A_243, %dma_start3A_251] : memref<32768x4096xf32, #tpu.memory_space<hbm>> -> memref<8x4096xf32, #tpu.memory_space<hbm>>
    %dma_start3A_253 = arith.constant 0 : i32
    %dma_start3A_254 = arith.constant 0 : i32
    %dma_start3A_255 = tpu.memref_slice %arg6[%dma_start3A_244, %dma_start3A_253, %dma_start3A_254] : memref<3x8x4096xf32, #tpu.memory_space<vmem>> -> memref<1x8x4096xf32, #tpu.memory_space<vmem>>
    %dma_start3A_256 = tpu.memref_squeeze %dma_start3A_255 : memref<1x8x4096xf32, #tpu.memory_space<vmem>> -> memref<8x4096xf32, #tpu.memory_space<vmem>>
    tpu.enqueue_dma source(%dma_start3A_256 : memref<8x4096xf32, #tpu.memory_space<vmem>>) target(%dma_start3A_252 : memref<8x4096xf32, #tpu.memory_space<hbm>>) target_semaphore(%arg8 : memref<!tpu.dma_semaphore, #tpu.memory_space<semaphore_mem>>)
    %dma_wait3A_257 = arith.constant 1 : i32
    %dma_wait3A_258 = arith.constant 0 : i32
    %dma_wait3A_259 = arith.constant 0 : i32
    %dma_wait3A_260 = tpu.memref_slice %arg6[%dma_wait3A_257, %dma_wait3A_258, %dma_wait3A_259] : memref<3x8x4096xf32, #tpu.memory_space<vmem>> -> memref<1x8x4096xf32, #tpu.memory_space<vmem>>
    %dma_wait3A_261 = tpu.memref_squeeze %dma_wait3A_260 : memref<1x8x4096xf32, #tpu.memory_space<vmem>> -> memref<8x4096xf32, #tpu.memory_space<vmem>>
    %dma_wait3A_262 = arith.constant 0 : i32
    %dma_wait3A_263 = tpu.memref_slice %arg4[%mul3A_2, %dma_wait3A_262] : memref<32768x4096xf32, #tpu.memory_space<hbm>> -> memref<8x4096xf32, #tpu.memory_space<hbm>>
    %dma_wait3A_264 = arith.constant 0 : i32
    %dma_wait3A_265 = tpu.memref_slice %arg4[%mul3A_2, %dma_wait3A_264] : memref<32768x4096xf32, #tpu.memory_space<hbm>> -> memref<8x4096xf32, #tpu.memory_space<hbm>>
    %dma_wait3A_266 = arith.constant 0 : i32
    %dma_wait3A_267 = arith.constant 0 : i32
    %dma_wait3A_268 = tpu.memref_slice %arg6[%dma_wait3A_257, %dma_wait3A_266, %dma_wait3A_267] : memref<3x8x4096xf32, #tpu.memory_space<vmem>> -> memref<1x8x4096xf32, #tpu.memory_space<vmem>>
    %dma_wait3A_269 = tpu.memref_squeeze %dma_wait3A_268 : memref<1x8x4096xf32, #tpu.memory_space<vmem>> -> memref<8x4096xf32, #tpu.memory_space<vmem>>
    tpu.wait_dma2 semaphore(%arg8 : memref<!tpu.dma_semaphore, #tpu.memory_space<semaphore_mem>>) src(%dma_wait3A_269 : memref<8x4096xf32, #tpu.memory_space<vmem>>) dst(%dma_wait3A_265 : memref<8x4096xf32, #tpu.memory_space<hbm>>)
    return
  }
}

</mosaic_0001>

<sc_bundles>
// kernel: kernel.3.cloned.1.call-start
scs
__scs_entry_jumppad:
0x0: {  	(pc) =	sbr.rel $0x88, $3  }
0x1: {  	(tag) =	ssettag $0x0;
	lr =	simm.s32 $0x1  }
0x2: {  	[smem:$0x3F9F] =	sst lr;
	_ =	strace $0xD0000000  }
0x3: {  	_ = 	snop  }
0x4: {  	_ = 	snop  }
0x5: {  	_ = 	snop  }
0x6: {  	_ = 	snop  }
0x7: {  	_ = 	snop  }
__scs_overlays_trampoline_lowered:
0x8: {  	[smem:$0x3FAE] =	sst s0  }
0x9: {  	[smem:$0x3FAF] =	sst s1  }
0xa: {  	[smem:$0x3FB0] =	sst s2  }
0xb: {  	[smem:$0x3FB1] =	sst s3  }
0xc: {  	[smem:$0x3FB2] =	sst s4  }
0xd: {  	[smem:$0x3FB3] =	sst s5  }
0xe: {  	[smem:$0x3FB4] =	sst s6  }
0xf: {  	[smem:$0x3FB5] =	sst s7  }
0x10: {  	[smem:$0x3FB6] =	sst s8  }
0x11: {  	[smem:$0x3FB7] =	sst s9;
	s0 =	simm.s32 @!p0 $0x0  }
0x12: {  	s1 =	sld [smem:$0x3F9D];
	s0 =	simm.s32 @p0 $0x1  }
0x13: {  	[smem:$0x3FB8] =	sst s0;
	s0 =	simm.s32 @!p1 $0x0  }
0x14: {  	s2 =	sld [smem:$0x3F9C];
	s0 =	simm.s32 @p1 $0x1  }
0x15: {  	[smem:$0x3FB9] =	sst s0;
	s0 =	simm.s32 @!p2 $0x0  }
0x16: {  	s3 =	sld [smem:$0x3FDB];
	s0 =	simm.s32 @p2 $0x1  }
0x17: {  	s4 =	simm.s32 $0x1BF5;
	[smem:$0x3FBB] =	sst s0  }
0x18: {  	s0 =	sld [smem:$0x3F9E];
	_ =	swait.ge [sflag:s4], $0x0  }
0x19: {  	s7 =	sld [smem:$0x3F9F]  }
0x1a: {  	s8 =	sadd.s32 $0xFFFFE003, lr  }
0x1b: {  	s9 =	sadd.s32 $0xFFFFFEF7, lr;
	s5 =	simm.s32 $0xFFFFFFFF;
	p2 =	slt.u32 s8, $0xFFFFF086  }
0x1c: {  	p1 =	slt.u32 s9, $0xF7A;
	s5 =	simm.s32 @!p2 $0x0  }
0x1d: {  	s5 =	simm.s32 @p1 $0x1;
	p0 =	seq.s32 s7, s2  }
0x1e: {  	s7 =	smul.u32 @!p0 $0xF7A, s2;
	p2 =	seq.s32 @!p0 s5, $0x0  }
0x1f: {  	s9 =	smul.u32 $0xF7A, s1;
	s8 =	simm.s32 @!p0 $0x1BF5;
	p2 =	por !p2, p0  }
0x20: {  	[sflag:s8] =	ssyncset.s32 @!p0 $0xFFFFF086;
	s6 =	sadd.s32 @!p0 s3, s7;
	s7 =	simm.s32 @!p0 $0x108  }
0x21: {  	s3 =	sadd.s32 s3, s9;
	s6 =	sadd.s32 @!p0 $0x88, s6;
	s7 =	simm.s32 @p2 $0x1082  }
0x22: {  	[simem:s7], [sflag:s8] =	dma.local @!p0 [hbm:s6], $0xF7A  }
0x23: {  	s9 =	sor.u32 $0xD0000000, s2;
	s6 =	simm.s32 $0x108;
	_ =	swait.ge @!p0 [sflag:s8], $0x0  }
0x24: {  	s3 =	sadd.s32 $0x88, s3;
	s6 =	simm.s32 @!p1 $0x1082;
	[sflag:s4] =	ssyncset.s32 $0xFFFFF086  }
0x25: {  	[simem:s6], [sflag:s4] =	dma.local [hbm:s3], $0xF7A  }
0x26: {  	[smem:$0x3F9F] =	sst s1;
	(tag) =	ssettag s2;
	_ =	strace s9  }
0x27: {  	s1 =	sld [smem:$0x3FAF]  }
0x28: {  	s2 =	sld [smem:$0x3FB0]  }
0x29: {  	s4 =	sld [smem:$0x3FB2]  }
0x2a: {  	p0 =	seq.s32 s5, $0x0;
	s5 =	sld [smem:$0x3FB3]  }
0x2b: {  	s6 =	sld [smem:$0x3FB4]  }
0x2c: {  	s7 =	sld [smem:$0x3FB5]  }
0x2d: {  	s3 =	simm.s32 $0x108;
	s8 =	sld [smem:$0x3FB6]  }
0x2e: {  	s3 =	simm.s32 @!p0 $0x1082;
	s9 =	sld [smem:$0x3FB7]  }
0x2f: {  	lr =	sadd.s32 s0, s3;
	s0 =	sld [smem:$0x3FAE]  }
0x30: {  	s3 =	sld [smem:$0x3FB1]  }
0x31: {  	[smem:$0x3FBA] =	sst s10  }
0x32: {  	s10 =	sld [smem:$0x3FB8];
	_ =	sdelay $0x3  }
0x33: {  	p0 =	seq.s32 s10, $0x1;
	s10 =	sld [smem:$0x3FBA];
	_ =	sdelay $0x3  }
0x34: {  	[smem:$0x3FBA] =	sst s10  }
0x35: {  	s10 =	sld [smem:$0x3FB9];
	_ =	sdelay $0x3  }
0x36: {  	p1 =	seq.s32 s10, $0x1;
	s10 =	sld [smem:$0x3FBA];
	_ =	sdelay $0x3  }
0x37: {  	[smem:$0x3FBA] =	sst s10  }
0x38: {  	s10 =	sld [smem:$0x3FBB]  }
0x39: {  	_ = 	snop;
	(pc) =	sbr.ind lr, $3  }
0x3a: {  	_ = 	snop  }
0x3b: {  	_ = 	snop  }
0x3c: {  	p2 =	seq.s32 s10, $0x1;
	s10 =	sld [smem:$0x3FBA]  }
0x3d: {  	_ =	shalt  }
0x3e: {  	_ =	shalt  }
0x3f: {  	_ =	shalt  }
0x40: {  	_ =	shalt  }
0x41: {  	_ =	shalt  }
0x42: {  	_ =	shalt  }
0x43: {  	_ =	shalt  }
0x44: {  	_ =	shalt  }
0x45: {  	_ =	shalt  }
0x46: {  	_ =	shalt  }
0x47: {  	_ =	shalt  }
0x48: {  	_ =	shalt  }
0x49: {  	_ =	shalt  }
0x4a: {  	_ =	shalt  }
0x4b: {  	_ =	shalt  }
0x4c: {  	_ =	shalt  }
0x4d: {  	_ =	shalt  }
0x4e: {  	_ =	shalt  }
0x4f: {  	_ =	shalt  }
0x50: {  	_ =	shalt  }
0x51: {  	_ =	shalt  }
0x52: {  	_ =	shalt  }
0x53: {  	_ =	shalt  }
0x54: {  	_ =	shalt  }
0x55: {  	_ =	shalt  }
0x56: {  	_ =	shalt  }
0x57: {  	_ =	shalt  }
0x58: {  	_ =	shalt  }
0x59: {  	_ =	shalt  }
0x5a: {  	_ =	shalt  }
0x5b: {  	_ =	shalt  }
0x5c: {  	_ =	shalt  }
0x5d: {  	_ =	shalt  }
0x5e: {  	_ =	shalt  }
0x5f: {  	_ =	shalt  }
0x60: {  	_ =	shalt  }
0x61: {  	_ =	shalt  }
0x62: {  	_ =	shalt  }
0x63: {  	_ =	shalt  }
0x64: {  	_ =	shalt  }
0x65: {  	_ =	shalt  }
0x66: {  	_ =	shalt  }
0x67: {  	_ =	shalt  }
0x68: {  	_ =	shalt  }
0x69: {  	_ =	shalt  }
0x6a: {  	_ =	shalt  }
0x6b: {  	_ =	shalt  }
0x6c: {  	_ =	shalt  }
0x6d: {  	_ =	shalt  }
0x6e: {  	_ =	shalt  }
0x6f: {  	_ =	shalt  }
0x70: {  	_ =	shalt  }
0x71: {  	_ =	shalt  }
0x72: {  	_ =	shalt  }
0x73: {  	_ =	shalt  }
0x74: {  	_ =	shalt  }
0x75: {  	_ =	shalt  }
0x76: {  	_ =	shalt  }
0x77: {  	_ =	shalt  }
0x78: {  	_ =	shalt  }
0x79: {  	_ =	shalt  }
0x7a: {  	_ =	shalt  }
0x7b: {  	_ =	shalt  }
0x7c: {  	_ =	shalt  }
0x7d: {  	_ =	shalt  }
0x7e: {  	_ =	shalt  }
0x7f: {  	_ =	shalt  }
0x80: {  	_ =	shalt  }
0x81: {  	_ =	shalt  }
0x82: {  	_ =	shalt  }
0x83: {  	_ =	shalt  }
0x84: {  	_ =	shalt  }
0x85: {  	_ =	shalt  }
0x86: {  	_ =	shalt  }
0x87: {  	_ =	shalt  }
.Lfunc_end0:
.L_simem_size_0:
called_computation_lowered:
.L_overlay_start_0:
0x88: {  	s2 =	sld [smem:$0x3FD9]  }
0x89: {  	s3 =	sld [smem:$0x3FFE];
	_ =	sdelay $0x1  }
0x8a: {  	s1 =	srdreg.scid  }
0x8b: {  	s0 =	sand.u32 $0x1, s1  }
0x8c: {  	s17 =	sshll.u32 s0, $0xA;
	s2 =	sadd.s32 s3, s2  }
0x8d: {  	s2 =	sadd.s32 s2, s17  }
0x8e: {  	[smem:$0x3FC6] =	sst s2  }
0x8f: {  	_ = 	snop  }
0x90: {  	s2 =	sld [smem:$0x3FC8]  }
0x91: {  	s18 =	sld [smem:$0x3FD0];
	(tm) =	ssettm $0x1  }
0x92: {  	s4 =	sld [smem:$0x3FFB];
	_ =	sdelay $0x3  }
0x93: {  	_ =	strace s4  }
0x94: {  	s4 =	sld [smem:$0x3FFC];
	_ =	sdelay $0x3  }
0x95: {  	_ =	strace s4  }
0x96: {  	s4 =	sld [smem:$0x3FFD];
	_ =	sdelay $0x3  }
0x97: {  	_ =	strace s4  }
0x98: {  	_ =	strace $0x8FFFFFFF  }
0x99: {  	s19 =	sld [smem:$0x3FDB];
	_ =	sdelay $0x1  }
0x9a: {  	s5 =	simm.s32 $_scs_section_size  }
0x9b: {  	s6 =	simm.s32 $_size__tile_overlayer_lowered;
	s7 =	simm.s32 $_tile_overlayer_lowered  }
0x9c: {  	s22 =	simm.s32 $0x1BFF;
	s21 =	sshll.u32 s7, $0x1;
	s4 =	sadd.s32 s5, s19  }
0x9d: {  	s8 =	simm.s32 $0x0;
	s20 =	sshll.u32 s6, $0x1;
	s6 =	sadd.s32 s21, s4  }
0x9e: {  	[timem:s8], [sflag:s22] =	dma.local [hbm:s6], s20  }
0x9f: {  	_ =	swait.ge [sflag:s22], s20  }
0xa0: {  	s5 =	ssub.s32 $0x0, s20;
	[sflag:s22] =	ssyncset.done $0x0  }
0xa1: {  	[sflag:s22] =	ssyncadd.s32 s5;
	_ =	sdelay $0x1  }
0xa2: {  	s23 =	simm.s32 $0x1B8B  }
0xa3: {  	_ =	swait.ge [sflag:s23], $0x1  }
0xa4: {  	[sflag:s23] =	ssyncset.done $0x0  }
0xa5: {  	s25 =	simm.s32 $0x1B8E;
	s24 =	sld [smem:$0x3FFE];
	[sflag:s23] =	ssyncadd.s32 $0xFFFFFFFF  }
0xa6: {  	s26 =	simm.s32 $execute0_lowered;
	[smem:$0x3FD2] =	sst s25  }
0xa7: {  	s6 =	sshll.u32 s26, $0x1;
	_ =	strace $0x80000046;
	[dreg:$0x1] =	wrdreg $0xFFFFFFFF  }
0xa8: {  	s28 =	simm.s32 $_size_execute0_lowered;
	s4 =	sadd.s32 s4, s6;
	[dreg:$0x0] =	wrdreg $0x0  }
0xa9: {  	s6 =	sshll.u32 s28, $0x1;
	[dreg:$0x2] =	wrdreg s4  }
0xaa: {  	[dreg:$0x3] =	wrdreg s6  }
0xab: {  	[dreg:$0x4] =	wrdreg $0xC0  }
0xac: {  	_ =	task [dreg:s8], $0x5FFFF  }
0xad: {  	[dreg:$0x1] =	wrdreg $0xFFFFFFFF  }
0xae: {  	[dreg:$0x0] =	wrdreg $0x60  }
0xaf: {  	[dreg:$0x2] =	wrdreg s24  }
0xb0: {  	[dreg:$0x3] =	wrdreg s2  }
0xb1: {  	[dreg:$0x4] =	wrdreg s18  }
0xb2: {  	[dreg:$0x5] =	wrdreg $0x9  }
0xb3: {  	_ =	task.clear_ibuf [dreg:s8], $0x6FFFF;
	_ =	strace $0x90000046  }
0xb4: {  	s29 =	simm.s32 $0x9;
	_ =	strace $0x80000048  }
0xb5: {  	_ =	swait.ge [sflag:s29], $0x1  }
0xb6: {  	[sflag:s29] =	ssyncadd.s32 $0xFFFFFFFF  }
0xb7: {  	_ =	strace $0x90000048  }
0xb8: {  	_ =	sfence  }
0xb9: {  	s30 =	sld [smem:$0x0];
	_ =	sdelay $0x2  }
0xba: {  	s31 =	sshll.u32 s1, $0xD;
	s1 =	sshrl.u32 s1, $0x2  }
0xbb: {  	s3 =	sand.u32 $0x4000, s31;
	s1 =	sadd.s32 s1, s30  }
0xbc: {  	s0 =	sor.u32 s3, s0;
	s1 =	sshll.u32 s1, $0x11  }
0xbd: {  	s0 =	sor.u32 s1, s0  }
0xbe: {  	s0 =	sadd.s32 $0x8F2B, s0  }
0xbf: {  	[sflag:s0] =	ssyncadd.remote.s32 $0x1  }
0xc0: {  	_ =	sfence.sel $0xFFFF  }
0xc1: {  	[dreg:$0x0] =	wrdreg $0xFFFFFFFF;
	(pc) =	sbr.abs _section_cstart, $3  }
0xc2: {  	[dreg:$0x1] =	wrdreg $0xFFFFFFFF  }
0xc3: {  	_ =	task.clear_ibuf [dreg:s8], $0x2FFFF;
	_ =	strace $0x9FFFFFFF  }
0xc4: {  	(tm) =	ssettm $0x7FFFFFFF  }
0xc5: {  	_ =	shalt  }
tec
execute0_lowered:
.L_overlay_start_1:
0x0: {  	(tag) =	ssettag $0x1  }
0x1: {  	s0 =	rddreg [dreg:$0x0]  }
0x2: {  	s1 =	srdreg.scid;
	s2 =	rddreg [dreg:$0x1]  }
0x3: {  	s20 =	stileid.u32;
	s4 =	rddreg [dreg:$0x2]  }
0x4: {  	s3 =	simm.s32 $0x0;
	s31 =	simm.s32 $0x400;
	s28 =	simm.s32 $0x11400  }
0x5: {  	s30 =	simm.s32 $0x12C00;
	s29 =	simm.s32 $0x14400;
	s1 =	sand.u32 $0x1, s1  }
0x6: {  	s5 =	sshll.u32 s20, $0xB;
	[smem:$0x7FF] =	sst s3;
	s7 =	sadd.s32 $0x300, s2  }
0x7: {  	s8 =	sadd.s32 $0x400, s2;
	s9 =	sadd.s32 $0x500, s2;
	s10 =	sadd.s32 $0x600, s2  }
0x8: {  	s11 =	sadd.s32 $0x700, s2;
	s12 =	sadd.s32 $0x800, s2;
	s13 =	sadd.s32 $0x900, s2  }
0x9: {  	s14 =	sadd.s32 $0xA00, s2;
	s15 =	sadd.s32 $0xB00, s2;
	s16 =	sadd.s32 $0xC00, s2  }
0xa: {  	s18 =	sadd.s32 $0xE00, s2;
	s6 =	sshll.u32 s1, $0xA;
	s19 =	ssub.s32 $0x2, s1  }
0xb: {  	s20 =	sshll.u32 s20, $0x14;
	s17 =	sor.u32 s6, s5;
	s21 =	sshrl.u32 s19, $0x1  }
0xc: {  	_ =	strace $0x80000047;
	s5 =	sshrl.u32 s17, $0x3;
	s19 =	ssub.s32 s19, s21  }
0xd: {  	s1 =	sshll.u32 s1, $0x13;
	s0 =	sadd.s32 s5, s0;
	s26 =	smax.u32 s19, $0x1  }
0xe: {  	s22 =	sshll.u32 s17, $0x9;
	s0 =	sadd.s32 $0x400, s0;
	[dreg:$0xb] =	wrdreg s26  }
0xf: {  	s19 =	simm.s32 $0x0;
	[dreg:$0x4] =	wrdreg s0;
	s0 =	sadd.s32 s22, s4  }
0x10: {  	s6 =	sadd.s32 $0x200, s2;
	[dreg:$0xc] =	wrdreg s19;
	s21 =	sadd.s32 $0x7B000, s0  }
0x11: {  	s17 =	sadd.s32 $0xD00, s2;
	s23 =	sadd.s32 $0x7C000, s0;
	[dreg:$0x5] =	wrdreg s21  }
0x12: {  	s4 =	sadd.s32 s20, s4;
	s24 =	sadd.s32 $0x7D000, s0;
	[dreg:$0x6] =	wrdreg s23  }
0x13: {  	s5 =	sadd.s32 $0x100, s2;
	s1 =	sadd.s32 s1, s4;
	[dreg:$0x7] =	wrdreg s24  }
0x14: {  	s26 =	sadd.s32 $0xF00, s2;
	s25 =	sadd.s32 $0x7E000, s0;
	[dreg:$0x8] =	wrdreg s1  }
0x15: {  	s20 =	simm.s32 $0x10400;
	s0 =	sadd.s32 $0x7F000, s0;
	[dreg:$0x9] =	wrdreg s25  }
0x16: {  	v0 =	vlaneseq.u32;
	s22 =	simm.s32 $0x1;
	s4 =	simm.s32 $0x2;
	[dreg:$0xa] =	wrdreg s0  }
0x17: {  	v1 =	vshrl.u32 v0, $0x3;
	s1 =	simm.s32 $0x8400;
	s21 =	simm.s32 $0x10C00;
	s24 =	simm.s32 $0x11C00  }
0x18: {  	vm0 =	vmmov $0xffff;
	v0 =	vand.u32 $0x7, v0;
	v1 =	vmul.u32 $0x8, v1;
	s25 =	simm.s32 $0x12400;
	s23 =	simm.s32 $0x13400;
	s0 =	simm.s32 $0x13C00  }
.LBB2_1:
0x19: {  	s19 =	rddreg [dreg:$0x4]  }
0x1a: {  	[tilespmem:s3], [sflag:$0x3] =	stream.linear.gather [hbm4b:s19+s3], $0x400, $0x38;
	[tilespmem:$0x18400] =	vst v63  }
0x1b: {  	s19 =	simm.s32 $0x3  }
0x1c: {  	_ =	swait.ge [sflag:s19], $0x400  }
0x1d: {  	[sflag:s19] =	ssyncset.done $0x0  }
0x1e: {  	[sflag:s19] =	ssyncadd.s32 $0xFFFFFC00  }
0x1f: {  	v2 =	vld.msk [tilespmem:$0x0], $0xff;
	_ =	sdelay $0x4  }
0x20: {  	v3 =	vshll.u32 v2, $0x5  }
0x21: {  	v2 =	vand.u32 $0x7, v2;
	v3 =	vand.u32 $0xFFFFFF00, v3  }
0x22: {  	v2 =	vor.u32 v2, v3  }
0x23: {  	v2 =	vperm.xlane v2, v0;
	_ =	sdelay $0x1  }
0x24: {  	v2 =	vadd.s32 v1, v2;
	_ =	sdelay $0x4  }
0x25: {  	[tilespmem:s31], [sflag:$0x1] =	stream.indirect_vreg.gather [hbm4b:s2+s3], $0x80, v2, vm0, $0xb8;
	[tilespmem:$0x18400] =	vst v63  }
0x26: {  	s19 =	simm.s32 $0xC00  }
0x27: {  	[tilespmem:s19], [sflag:$0x1] =	stream.indirect_vreg.gather [hbm4b:s5+s3], $0x80, v2, vm0, $0xb8;
	[tilespmem:$0x18400] =	vst v63  }
0x28: {  	s19 =	simm.s32 $0x1400  }
0x29: {  	[tilespmem:s19], [sflag:$0x1] =	stream.indirect_vreg.gather [hbm4b:s6+s3], $0x80, v2, vm0, $0xb8;
	[tilespmem:$0x18400] =	vst v63  }
0x2a: {  	s19 =	simm.s32 $0x1C00  }
0x2b: {  	[tilespmem:s19], [sflag:$0x1] =	stream.indirect_vreg.gather [hbm4b:s7+s3], $0x80, v2, vm0, $0xb8;
	[tilespmem:$0x18400] =	vst v63  }
0x2c: {  	s19 =	simm.s32 $0x2400  }
0x2d: {  	[tilespmem:s19], [sflag:$0x1] =	stream.indirect_vreg.gather [hbm4b:s8+s3], $0x80, v2, vm0, $0xb8;
	[tilespmem:$0x18400] =	vst v63  }
0x2e: {  	s19 =	simm.s32 $0x2C00  }
0x2f: {  	[tilespmem:s19], [sflag:$0x1] =	stream.indirect_vreg.gather [hbm4b:s9+s3], $0x80, v2, vm0, $0xb8;
	[tilespmem:$0x18400] =	vst v63  }
0x30: {  	s19 =	simm.s32 $0x3400  }
0x31: {  	[tilespmem:s19], [sflag:$0x1] =	stream.indirect_vreg.gather [hbm4b:s10+s3], $0x80, v2, vm0, $0xb8;
	[tilespmem:$0x18400] =	vst v63  }
0x32: {  	s19 =	simm.s32 $0x3C00  }
0x33: {  	[tilespmem:s19], [sflag:$0x1] =	stream.indirect_vreg.gather [hbm4b:s11+s3], $0x80, v2, vm0, $0xb8;
	[tilespmem:$0x18400] =	vst v63  }
0x34: {  	s19 =	simm.s32 $0x4400  }
0x35: {  	[tilespmem:s19], [sflag:$0x1] =	stream.indirect_vreg.gather [hbm4b:s12+s3], $0x80, v2, vm0, $0xb8;
	[tilespmem:$0x18400] =	vst v63  }
0x36: {  	s19 =	simm.s32 $0x4C00  }
0x37: {  	[tilespmem:s19], [sflag:$0x1] =	stream.indirect_vreg.gather [hbm4b:s13+s3], $0x80, v2, vm0, $0xb8;
	[tilespmem:$0x18400] =	vst v63  }
0x38: {  	s19 =	simm.s32 $0x5400  }
0x39: {  	[tilespmem:s19], [sflag:$0x1] =	stream.indirect_vreg.gather [hbm4b:s14+s3], $0x80, v2, vm0, $0xb8;
	[tilespmem:$0x18400] =	vst v63  }
0x3a: {  	s19 =	simm.s32 $0x5C00  }
0x3b: {  	[tilespmem:s19], [sflag:$0x1] =	stream.indirect_vreg.gather [hbm4b:s15+s3], $0x80, v2, vm0, $0xb8;
	[tilespmem:$0x18400] =	vst v63  }
0x3c: {  	s19 =	simm.s32 $0x6400  }
0x3d: {  	[tilespmem:s19], [sflag:$0x1] =	stream.indirect_vreg.gather [hbm4b:s16+s3], $0x80, v2, vm0, $0xb8;
	[tilespmem:$0x18400] =	vst v63  }
0x3e: {  	s19 =	simm.s32 $0x6C00  }
0x3f: {  	[tilespmem:s19], [sflag:$0x1] =	stream.indirect_vreg.gather [hbm4b:s17+s3], $0x80, v2, vm0, $0xb8;
	[tilespmem:$0x18400] =	vst v63  }
0x40: {  	s19 =	simm.s32 $0x7400  }
0x41: {  	[tilespmem:s19], [sflag:$0x1] =	stream.indirect_vreg.gather [hbm4b:s18+s3], $0x80, v2, vm0, $0xb8;
	[tilespmem:$0x18400] =	vst v63  }
0x42: {  	s19 =	simm.s32 $0x7C00  }
0x43: {  	[tilespmem:s19], [sflag:$0x1] =	stream.indirect_vreg.gather [hbm4b:s26+s3], $0x80, v2, vm0, $0xb8;
	[tilespmem:$0x18400] =	vst v63  }
0x44: {  	v2 =	vld.msk [tilespmem:$0x8], $0xff;
	_ =	sdelay $0x4  }
0x45: {  	v3 =	vshll.u32 v2, $0x5  }
0x46: {  	v2 =	vand.u32 $0x7, v2;
	v3 =	vand.u32 $0xFFFFFF00, v3  }
0x47: {  	v2 =	vor.u32 v2, v3  }
0x48: {  	v2 =	vperm.xlane v2, v0;
	_ =	sdelay $0x1  }
0x49: {  	v2 =	vadd.s32 v1, v2;
	_ =	sdelay $0x4  }
0x4a: {  	[tilespmem:s1], [sflag:$0x1] =	stream.indirect_vreg.gather [hbm4b:s2+s3], $0x80, v2, vm0, $0xb8;
	[tilespmem:$0x18400] =	vst v63  }
0x4b: {  	s1 =	simm.s32 $0x8C00  }
0x4c: {  	[tilespmem:s1], [sflag:$0x1] =	stream.indirect_vreg.gather [hbm4b:s5+s3], $0x80, v2, vm0, $0xb8;
	[tilespmem:$0x18400] =	vst v63  }
0x4d: {  	s1 =	simm.s32 $0x9400  }
0x4e: {  	[tilespmem:s1], [sflag:$0x1] =	stream.indirect_vreg.gather [hbm4b:s6+s3], $0x80, v2, vm0, $0xb8;
	[tilespmem:$0x18400] =	vst v63  }
0x4f: {  	s1 =	simm.s32 $0x9C00  }
0x50: {  	[tilespmem:s1], [sflag:$0x1] =	stream.indirect_vreg.gather [hbm4b:s7+s3], $0x80, v2, vm0, $0xb8;
	[tilespmem:$0x18400] =	vst v63  }
0x51: {  	s1 =	simm.s32 $0xA400  }
0x52: {  	[tilespmem:s1], [sflag:$0x1] =	stream.indirect_vreg.gather [hbm4b:s8+s3], $0x80, v2, vm0, $0xb8;
	[tilespmem:$0x18400] =	vst v63  }
0x53: {  	s1 =	simm.s32 $0xAC00  }
0x54: {  	[tilespmem:s1], [sflag:$0x1] =	stream.indirect_vreg.gather [hbm4b:s9+s3], $0x80, v2, vm0, $0xb8;
	[tilespmem:$0x18400] =	vst v63  }
0x55: {  	s1 =	simm.s32 $0xB400  }
0x56: {  	[tilespmem:s1], [sflag:$0x1] =	stream.indirect_vreg.gather [hbm4b:s10+s3], $0x80, v2, vm0, $0xb8;
	[tilespmem:$0x18400] =	vst v63  }
0x57: {  	s1 =	simm.s32 $0xBC00  }
0x58: {  	[tilespmem:s1], [sflag:$0x1] =	stream.indirect_vreg.gather [hbm4b:s11+s3], $0x80, v2, vm0, $0xb8;
	[tilespmem:$0x18400] =	vst v63  }
0x59: {  	s1 =	simm.s32 $0xC400  }
0x5a: {  	[tilespmem:s1], [sflag:$0x1] =	stream.indirect_vreg.gather [hbm4b:s12+s3], $0x80, v2, vm0, $0xb8;
	[tilespmem:$0x18400] =	vst v63  }
0x5b: {  	s1 =	simm.s32 $0xCC00  }
0x5c: {  	[tilespmem:s1], [sflag:$0x1] =	stream.indirect_vreg.gather [hbm4b:s13+s3], $0x80, v2, vm0, $0xb8;
	[tilespmem:$0x18400] =	vst v63  }
0x5d: {  	s1 =	simm.s32 $0xD400  }
0x5e: {  	[tilespmem:s1], [sflag:$0x1] =	stream.indirect_vreg.gather [hbm4b:s14+s3], $0x80, v2, vm0, $0xb8;
	[tilespmem:$0x18400] =	vst v63  }
0x5f: {  	s1 =	simm.s32 $0xDC00  }
0x60: {  	[tilespmem:s1], [sflag:$0x1] =	stream.indirect_vreg.gather [hbm4b:s15+s3], $0x80, v2, vm0, $0xb8;
	[tilespmem:$0x18400] =	vst v63  }
0x61: {  	s1 =	simm.s32 $0xE400  }
0x62: {  	[tilespmem:s1], [sflag:$0x1] =	stream.indirect_vreg.gather [hbm4b:s16+s3], $0x80, v2, vm0, $0xb8;
	[tilespmem:$0x18400] =	vst v63  }
0x63: {  	s1 =	simm.s32 $0xEC00  }
0x64: {  	[tilespmem:s1], [sflag:$0x1] =	stream.indirect_vreg.gather [hbm4b:s17+s3], $0x80, v2, vm0, $0xb8;
	[tilespmem:$0x18400] =	vst v63  }
0x65: {  	s1 =	simm.s32 $0xF400  }
0x66: {  	[tilespmem:s1], [sflag:$0x1] =	stream.indirect_vreg.gather [hbm4b:s18+s3], $0x80, v2, vm0, $0xb8;
	[tilespmem:$0x18400] =	vst v63  }
0x67: {  	s1 =	simm.s32 $0xFC00  }
0x68: {  	[tilespmem:s1], [sflag:$0x1] =	stream.indirect_vreg.gather [hbm4b:s26+s3], $0x80, v2, vm0, $0xb8;
	[tilespmem:$0x18400] =	vst v63  }
0x69: {  	v2 =	vld.msk [tilespmem:$0x10], $0xff;
	_ =	sdelay $0x4  }
0x6a: {  	v3 =	vshll.u32 v2, $0x5  }
0x6b: {  	v2 =	vand.u32 $0x7, v2;
	v3 =	vand.u32 $0xFFFFFF00, v3  }
0x6c: {  	v2 =	vor.u32 v2, v3  }
0x6d: {  	v2 =	vperm.xlane v2, v0;
	_ =	sdelay $0x1  }
0x6e: {  	v2 =	vadd.s32 v1, v2;
	_ =	sdelay $0x4  }
0x6f: {  	[tilespmem:s20], [sflag:$0x1] =	stream.indirect_vreg.gather [hbm4b:s2+s3], $0x80, v2, vm0, $0xb8;
	[tilespmem:$0x18400] =	vst v63  }
0x70: {  	_ = 	snop  }
0x71: {  	[tilespmem:s21], [sflag:$0x1] =	stream.indirect_vreg.gather [hbm4b:s5+s3], $0x80, v2, vm0, $0xb8;
	[tilespmem:$0x18400] =	vst v63  }
0x72: {  	_ = 	snop  }
0x73: {  	[tilespmem:s28], [sflag:$0x1] =	stream.indirect_vreg.gather [hbm4b:s6+s3], $0x80, v2, vm0, $0xb8;
	[tilespmem:$0x18400] =	vst v63  }
0x74: {  	_ = 	snop  }
0x75: {  	[tilespmem:s24], [sflag:$0x1] =	stream.indirect_vreg.gather [hbm4b:s7+s3], $0x80, v2, vm0, $0xb8;
	[tilespmem:$0x18400] =	vst v63  }
0x76: {  	_ = 	snop  }
0x77: {  	[tilespmem:s25], [sflag:$0x1] =	stream.indirect_vreg.gather [hbm4b:s8+s3], $0x80, v2, vm0, $0xb8;
	[tilespmem:$0x18400] =	vst v63  }
0x78: {  	_ = 	snop  }
0x79: {  	[tilespmem:s30], [sflag:$0x1] =	stream.indirect_vreg.gather [hbm4b:s9+s3], $0x80, v2, vm0, $0xb8;
	[tilespmem:$0x18400] =	vst v63  }
0x7a: {  	_ = 	snop  }
0x7b: {  	[tilespmem:s23], [sflag:$0x1] =	stream.indirect_vreg.gather [hbm4b:s10+s3], $0x80, v2, vm0, $0xb8;
	[tilespmem:$0x18400] =	vst v63  }
0x7c: {  	_ = 	snop  }
0x7d: {  	[tilespmem:s0], [sflag:$0x1] =	stream.indirect_vreg.gather [hbm4b:s11+s3], $0x80, v2, vm0, $0xb8;
	[tilespmem:$0x18400] =	vst v63  }
0x7e: {  	_ = 	snop  }
0x7f: {  	[tilespmem:s29], [sflag:$0x1] =	stream.indirect_vreg.gather [hbm4b:s12+s3], $0x80, v2, vm0, $0xb8;
	[tilespmem:$0x18400] =	vst v63  }
0x80: {  	s23 =	simm.s32 $0x14C00  }
0x81: {  	[tilespmem:s23], [sflag:$0x1] =	stream.indirect_vreg.gather [hbm4b:s13+s3], $0x80, v2, vm0, $0xb8;
	[tilespmem:$0x18400] =	vst v63  }
0x82: {  	s24 =	simm.s32 $0x15400  }
0x83: {  	[tilespmem:s24], [sflag:$0x1] =	stream.indirect_vreg.gather [hbm4b:s14+s3], $0x80, v2, vm0, $0xb8;
	[tilespmem:$0x18400] =	vst v63  }
0x84: {  	s25 =	simm.s32 $0x15C00  }
0x85: {  	[tilespmem:s25], [sflag:$0x1] =	stream.indirect_vreg.gather [hbm4b:s15+s3], $0x80, v2, vm0, $0xb8;
	[tilespmem:$0x18400] =	vst v63  }
0x86: {  	s28 =	simm.s32 $0x16400  }
0x87: {  	[tilespmem:s28], [sflag:$0x1] =	stream.indirect_vreg.gather [hbm4b:s16+s3], $0x80, v2, vm0, $0xb8;
	[tilespmem:$0x18400] =	vst v63  }
0x88: {  	s31 =	simm.s32 $0x12C00;
	s25 =	simm.s32 $0x16C00  }
0x89: {  	[tilespmem:s25], [sflag:$0x1] =	stream.indirect_vreg.gather [hbm4b:s17+s3], $0x80, v2, vm0, $0xb8;
	[tilespmem:$0x18400] =	vst v63  }
0x8a: {  	s19 =	simm.s32 $0x0;
	s30 =	simm.s32 $0x17C00;
	s23 =	simm.s32 $0x17400  }
0x8b: {  	[tilespmem:s23], [sflag:$0x1] =	stream.indirect_vreg.gather [hbm4b:s18+s3], $0x80, v2, vm0, $0xb8;
	[tilespmem:$0x18400] =	vst v63  }
0x8c: {  	s0 =	simm.s32 $0x13C00;
	s29 =	simm.s32 $0x14400;
	s24 =	rddreg [dreg:$0x8]  }
0x8d: {  	[tilespmem:s30], [sflag:$0x1] =	stream.indirect_vreg.gather [hbm4b:s26+s3], $0x80, v2, vm0, $0xb8;
	[tilespmem:$0x18400] =	vst v63  }
.LBB2_2:
0x8e: {  	_ =	swait.ge [sflag:s22], $0x8000  }
0x8f: {  	[sflag:s22] =	ssyncset.done $0x0  }
0x90: {  	s21 =	simm.s32 $0x400;
	[sflag:s22] =	ssyncadd.s32 $0xFFFF8000  }
0x91: {  	[hbm4b:s24+s3] =	stream.linear.scatter [tilespmem:s21], [sflag:$0x2], $0x8000, $0x38;
	[tilespmem:$0x18400] =	vst v63  }
0x92: {  	_ =	swait.ge [sflag:s4], $0x8000  }
0x93: {  	[sflag:s4] =	ssyncset.done $0x0  }
0x94: {  	s28 =	sshra.s32 s19, $0x2;
	[sflag:s4] =	ssyncadd.s32 $0xFFFF8000  }
0x95: {  	v2 =	vld.msk [tilespmem:s28+$0x18], $0xff;
	_ =	sdelay $0x4  }
0x96: {  	v3 =	vshll.u32 v2, $0x5  }
0x97: {  	v2 =	vand.u32 $0x7, v2;
	v3 =	vand.u32 $0xFFFFFF00, v3  }
0x98: {  	v2 =	vor.u32 v2, v3  }
0x99: {  	v2 =	vperm.xlane v2, v0;
	_ =	sdelay $0x1  }
0x9a: {  	v2 =	vadd.s32 v1, v2;
	_ =	sdelay $0x4  }
0x9b: {  	[tilespmem:s21], [sflag:$0x1] =	stream.indirect_vreg.gather [hbm4b:s2+s3], $0x80, v2, vm0, $0xb8;
	[tilespmem:$0x18400] =	vst v63  }
0x9c: {  	s20 =	simm.s32 $0xC00  }
0x9d: {  	[tilespmem:s20], [sflag:$0x1] =	stream.indirect_vreg.gather [hbm4b:s5+s3], $0x80, v2, vm0, $0xb8;
	[tilespmem:$0x18400] =	vst v63  }
0x9e: {  	s1 =	simm.s32 $0x1400  }
0x9f: {  	[tilespmem:s1], [sflag:$0x1] =	stream.indirect_vreg.gather [hbm4b:s6+s3], $0x80, v2, vm0, $0xb8;
	[tilespmem:$0x18400] =	vst v63  }
0xa0: {  	s20 =	simm.s32 $0x1C00  }
0xa1: {  	[tilespmem:s20], [sflag:$0x1] =	stream.indirect_vreg.gather [hbm4b:s7+s3], $0x80, v2, vm0, $0xb8;
	[tilespmem:$0x18400] =	vst v63  }
0xa2: {  	s1 =	simm.s32 $0x2400  }
0xa3: {  	[tilespmem:s1], [sflag:$0x1] =	stream.indirect_vreg.gather [hbm4b:s8+s3], $0x80, v2, vm0, $0xb8;
	[tilespmem:$0x18400] =	vst v63  }
0xa4: {  	s20 =	simm.s32 $0x2C00  }
0xa5: {  	[tilespmem:s20], [sflag:$0x1] =	stream.indirect_vreg.gather [hbm4b:s9+s3], $0x80, v2, vm0, $0xb8;
	[tilespmem:$0x18400] =	vst v63  }
0xa6: {  	s1 =	simm.s32 $0x3400  }
0xa7: {  	[tilespmem:s1], [sflag:$0x1] =	stream.indirect_vreg.gather [hbm4b:s10+s3], $0x80, v2, vm0, $0xb8;
	[tilespmem:$0x18400] =	vst v63  }
0xa8: {  	s20 =	simm.s32 $0x3C00  }
0xa9: {  	[tilespmem:s20], [sflag:$0x1] =	stream.indirect_vreg.gather [hbm4b:s11+s3], $0x80, v2, vm0, $0xb8;
	[tilespmem:$0x18400] =	vst v63  }
0xaa: {  	s1 =	simm.s32 $0x4400  }
0xab: {  	[tilespmem:s1], [sflag:$0x1] =	stream.indirect_vreg.gather [hbm4b:s12+s3], $0x80, v2, vm0, $0xb8;
	[tilespmem:$0x18400] =	vst v63  }
0xac: {  	s20 =	simm.s32 $0x4C00  }
0xad: {  	[tilespmem:s20], [sflag:$0x1] =	stream.indirect_vreg.gather [hbm4b:s13+s3], $0x80, v2, vm0, $0xb8;
	[tilespmem:$0x18400] =	vst v63  }
0xae: {  	s1 =	simm.s32 $0x5400  }
0xaf: {  	[tilespmem:s1], [sflag:$0x1] =	stream.indirect_vreg.gather [hbm4b:s14+s3], $0x80, v2, vm0, $0xb8;
	[tilespmem:$0x18400] =	vst v63  }
0xb0: {  	s20 =	simm.s32 $0x5C00  }
0xb1: {  	[tilespmem:s20], [sflag:$0x1] =	stream.indirect_vreg.gather [hbm4b:s15+s3], $0x80, v2, vm0, $0xb8;
	[tilespmem:$0x18400] =	vst v63  }
0xb2: {  	s1 =	simm.s32 $0x6400  }
0xb3: {  	[tilespmem:s1], [sflag:$0x1] =	stream.indirect_vreg.gather [hbm4b:s16+s3], $0x80, v2, vm0, $0xb8;
	[tilespmem:$0x18400] =	vst v63  }
0xb4: {  	s20 =	simm.s32 $0x6C00  }
0xb5: {  	[tilespmem:s20], [sflag:$0x1] =	stream.indirect_vreg.gather [hbm4b:s17+s3], $0x80, v2, vm0, $0xb8;
	[tilespmem:$0x18400] =	vst v63  }
0xb6: {  	s1 =	simm.s32 $0x7400  }
0xb7: {  	[tilespmem:s1], [sflag:$0x1] =	stream.indirect_vreg.gather [hbm4b:s18+s3], $0x80, v2, vm0, $0xb8;
	[tilespmem:$0x18400] =	vst v63  }
0xb8: {  	s20 =	simm.s32 $0x7C00  }
0xb9: {  	[tilespmem:s20], [sflag:$0x1] =	stream.indirect_vreg.gather [hbm4b:s26+s3], $0x80, v2, vm0, $0xb8;
	[tilespmem:$0x18400] =	vst v63  }
0xba: {  	_ =	swait.ge [sflag:s22], $0x8000  }
0xbb: {  	[sflag:s22] =	ssyncset.done $0x0  }
0xbc: {  	s1 =	sadd.s32 $0x1000, s24;
	s20 =	simm.s32 $0x8400;
	[sflag:s22] =	ssyncadd.s32 $0xFFFF8000  }
0xbd: {  	[hbm4b:s1+s3] =	stream.linear.scatter [tilespmem:s20], [sflag:$0x2], $0x8000, $0x38;
	[tilespmem:$0x18400] =	vst v63  }
0xbe: {  	_ =	swait.ge [sflag:s4], $0x8000  }
0xbf: {  	[sflag:s4] =	ssyncset.done $0x0  }
0xc0: {  	[sflag:s4] =	ssyncadd.s32 $0xFFFF8000  }
0xc1: {  	v2 =	vld.msk [tilespmem:s28+$0x20], $0xff;
	_ =	sdelay $0x4  }
0xc2: {  	v3 =	vshll.u32 v2, $0x5  }
0xc3: {  	v2 =	vand.u32 $0x7, v2;
	v3 =	vand.u32 $0xFFFFFF00, v3  }
0xc4: {  	v2 =	vor.u32 v2, v3  }
0xc5: {  	v2 =	vperm.xlane v2, v0;
	_ =	sdelay $0x1  }
0xc6: {  	v2 =	vadd.s32 v1, v2;
	_ =	sdelay $0x4  }
0xc7: {  	[tilespmem:s20], [sflag:$0x1] =	stream.indirect_vreg.gather [hbm4b:s2+s3], $0x80, v2, vm0, $0xb8;
	[tilespmem:$0x18400] =	vst v63  }
0xc8: {  	s1 =	simm.s32 $0x8C00  }
0xc9: {  	[tilespmem:s1], [sflag:$0x1] =	stream.indirect_vreg.gather [hbm4b:s5+s3], $0x80, v2, vm0, $0xb8;
	[tilespmem:$0x18400] =	vst v63  }
0xca: {  	s20 =	simm.s32 $0x9400  }
0xcb: {  	[tilespmem:s20], [sflag:$0x1] =	stream.indirect_vreg.gather [hbm4b:s6+s3], $0x80, v2, vm0, $0xb8;
	[tilespmem:$0x18400] =	vst v63  }
0xcc: {  	s1 =	simm.s32 $0x9C00  }
0xcd: {  	[tilespmem:s1], [sflag:$0x1] =	stream.indirect_vreg.gather [hbm4b:s7+s3], $0x80, v2, vm0, $0xb8;
	[tilespmem:$0x18400] =	vst v63  }
0xce: {  	s20 =	simm.s32 $0xA400  }
0xcf: {  	[tilespmem:s20], [sflag:$0x1] =	stream.indirect_vreg.gather [hbm4b:s8+s3], $0x80, v2, vm0, $0xb8;
	[tilespmem:$0x18400] =	vst v63  }
0xd0: {  	s1 =	simm.s32 $0xAC00  }
0xd1: {  	[tilespmem:s1], [sflag:$0x1] =	stream.indirect_vreg.gather [hbm4b:s9+s3], $0x80, v2, vm0, $0xb8;
	[tilespmem:$0x18400] =	vst v63  }
0xd2: {  	s20 =	simm.s32 $0xB400  }
0xd3: {  	[tilespmem:s20], [sflag:$0x1] =	stream.indirect_vreg.gather [hbm4b:s10+s3], $0x80, v2, vm0, $0xb8;
	[tilespmem:$0x18400] =	vst v63  }
0xd4: {  	s1 =	simm.s32 $0xBC00  }
0xd5: {  	[tilespmem:s1], [sflag:$0x1] =	stream.indirect_vreg.gather [hbm4b:s11+s3], $0x80, v2, vm0, $0xb8;
	[tilespmem:$0x18400] =	vst v63  }
0xd6: {  	s20 =	simm.s32 $0xC400  }
0xd7: {  	[tilespmem:s20], [sflag:$0x1] =	stream.indirect_vreg.gather [hbm4b:s12+s3], $0x80, v2, vm0, $0xb8;
	[tilespmem:$0x18400] =	vst v63  }
0xd8: {  	s1 =	simm.s32 $0xCC00  }
0xd9: {  	[tilespmem:s1], [sflag:$0x1] =	stream.indirect_vreg.gather [hbm4b:s13+s3], $0x80, v2, vm0, $0xb8;
	[tilespmem:$0x18400] =	vst v63  }
0xda: {  	s20 =	simm.s32 $0xD400  }
0xdb: {  	[tilespmem:s20], [sflag:$0x1] =	stream.indirect_vreg.gather [hbm4b:s14+s3], $0x80, v2, vm0, $0xb8;
	[tilespmem:$0x18400] =	vst v63  }
0xdc: {  	s1 =	simm.s32 $0xDC00  }
0xdd: {  	[tilespmem:s1], [sflag:$0x1] =	stream.indirect_vreg.gather [hbm4b:s15+s3], $0x80, v2, vm0, $0xb8;
	[tilespmem:$0x18400] =	vst v63  }
0xde: {  	s20 =	simm.s32 $0xE400  }
0xdf: {  	[tilespmem:s20], [sflag:$0x1] =	stream.indirect_vreg.gather [hbm4b:s16+s3], $0x80, v2, vm0, $0xb8;
	[tilespmem:$0x18400] =	vst v63  }
0xe0: {  	s1 =	simm.s32 $0xEC00  }
0xe1: {  	[tilespmem:s1], [sflag:$0x1] =	stream.indirect_vreg.gather [hbm4b:s17+s3], $0x80, v2, vm0, $0xb8;
	[tilespmem:$0x18400] =	vst v63  }
0xe2: {  	s20 =	simm.s32 $0xF400  }
0xe3: {  	[tilespmem:s20], [sflag:$0x1] =	stream.indirect_vreg.gather [hbm4b:s18+s3], $0x80, v2, vm0, $0xb8;
	[tilespmem:$0x18400] =	vst v63  }
0xe4: {  	s1 =	simm.s32 $0xFC00  }
0xe5: {  	[tilespmem:s1], [sflag:$0x1] =	stream.indirect_vreg.gather [hbm4b:s26+s3], $0x80, v2, vm0, $0xb8;
	[tilespmem:$0x18400] =	vst v63  }
0xe6: {  	_ =	swait.ge [sflag:s22], $0x8000  }
0xe7: {  	[sflag:s22] =	ssyncset.done $0x0  }
0xe8: {  	s20 =	sadd.s32 $0x2000, s24;
	s1 =	simm.s32 $0x10400;
	[sflag:s22] =	ssyncadd.s32 $0xFFFF8000  }
0xe9: {  	[hbm4b:s20+s3] =	stream.linear.scatter [tilespmem:s1], [sflag:$0x2], $0x8000, $0x38;
	[tilespmem:$0x18400] =	vst v63  }
0xea: {  	_ =	swait.ge [sflag:s4], $0x8000  }
0xeb: {  	[sflag:s4] =	ssyncset.done $0x0  }
0xec: {  	[sflag:s4] =	ssyncadd.s32 $0xFFFF8000  }
0xed: {  	v2 =	vld.msk [tilespmem:s28+$0x28], $0xff;
	_ =	sdelay $0x4  }
0xee: {  	v3 =	vshll.u32 v2, $0x5  }
0xef: {  	v2 =	vand.u32 $0x7, v2;
	v3 =	vand.u32 $0xFFFFFF00, v3  }
0xf0: {  	v2 =	vor.u32 v2, v3  }
0xf1: {  	v2 =	vperm.xlane v2, v0;
	_ =	sdelay $0x1  }
0xf2: {  	v2 =	vadd.s32 v1, v2;
	_ =	sdelay $0x4  }
0xf3: {  	[tilespmem:s1], [sflag:$0x1] =	stream.indirect_vreg.gather [hbm4b:s2+s3], $0x80, v2, vm0, $0xb8;
	[tilespmem:$0x18400] =	vst v63  }
0xf4: {  	s21 =	simm.s32 $0x10C00  }
0xf5: {  	[tilespmem:s21], [sflag:$0x1] =	stream.indirect_vreg.gather [hbm4b:s5+s3], $0x80, v2, vm0, $0xb8;
	[tilespmem:$0x18400] =	vst v63  }
0xf6: {  	s28 =	simm.s32 $0x11400  }
0xf7: {  	[tilespmem:s28], [sflag:$0x1] =	stream.indirect_vreg.gather [hbm4b:s6+s3], $0x80, v2, vm0, $0xb8;
	[tilespmem:$0x18400] =	vst v63  }
0xf8: {  	s1 =	simm.s32 $0x11C00  }
0xf9: {  	[tilespmem:s1], [sflag:$0x1] =	stream.indirect_vreg.gather [hbm4b:s7+s3], $0x80, v2, vm0, $0xb8;
	[tilespmem:$0x18400] =	vst v63  }
0xfa: {  	s1 =	simm.s32 $0x12400  }
0xfb: {  	[tilespmem:s1], [sflag:$0x1] =	stream.indirect_vreg.gather [hbm4b:s8+s3], $0x80, v2, vm0, $0xb8;
	[tilespmem:$0x18400] =	vst v63  }
0xfc: {  	_ = 	snop  }
0xfd: {  	[tilespmem:s31], [sflag:$0x1] =	stream.indirect_vreg.gather [hbm4b:s9+s3], $0x80, v2, vm0, $0xb8;
	[tilespmem:$0x18400] =	vst v63  }
0xfe: {  	s1 =	simm.s32 $0x13400  }
0xff: {  	[tilespmem:s1], [sflag:$0x1] =	stream.indirect_vreg.gather [hbm4b:s10+s3], $0x80, v2, vm0, $0xb8;
	[tilespmem:$0x18400] =	vst v63  }
0x100: {  	_ = 	snop  }
0x101: {  	[tilespmem:s0], [sflag:$0x1] =	stream.indirect_vreg.gather [hbm4b:s11+s3], $0x80, v2, vm0, $0xb8;
	[tilespmem:$0x18400] =	vst v63  }
0x102: {  	_ = 	snop  }
0x103: {  	[tilespmem:s29], [sflag:$0x1] =	stream.indirect_vreg.gather [hbm4b:s12+s3], $0x80, v2, vm0, $0xb8;
	[tilespmem:$0x18400] =	vst v63  }
0x104: {  	s1 =	simm.s32 $0x14C00  }
0x105: {  	[tilespmem:s1], [sflag:$0x1] =	stream.indirect_vreg.gather [hbm4b:s13+s3], $0x80, v2, vm0, $0xb8;
	[tilespmem:$0x18400] =	vst v63  }
0x106: {  	s1 =	simm.s32 $0x15400  }
0x107: {  	[tilespmem:s1], [sflag:$0x1] =	stream.indirect_vreg.gather [hbm4b:s14+s3], $0x80, v2, vm0, $0xb8;
	[tilespmem:$0x18400] =	vst v63  }
0x108: {  	s1 =	simm.s32 $0x15C00  }
0x109: {  	[tilespmem:s1], [sflag:$0x1] =	stream.indirect_vreg.gather [hbm4b:s15+s3], $0x80, v2, vm0, $0xb8;
	[tilespmem:$0x18400] =	vst v63  }
0x10a: {  	s1 =	simm.s32 $0x16400  }
0x10b: {  	[tilespmem:s1], [sflag:$0x1] =	stream.indirect_vreg.gather [hbm4b:s16+s3], $0x80, v2, vm0, $0xb8;
	[tilespmem:$0x18400] =	vst v63  }
0x10c: {  	p0 =	sne.s32 s19, $0xF00  }
0x10d: {  	[tilespmem:s25], [sflag:$0x1] =	stream.indirect_vreg.gather [hbm4b:s17+s3], $0x80, v2, vm0, $0xb8;
	[tilespmem:$0x18400] =	vst v63  }
.Ltmp0:
0x10e: {  	_ = 	snop;
	(pc) =	sbr.rel @p0 .LBB2_2-.Ltmp0, $4  }
0x10f: {  	_ = 	snop  }
0x110: {  	[tilespmem:s23], [sflag:$0x1] =	stream.indirect_vreg.gather [hbm4b:s18+s3], $0x80, v2, vm0, $0xb8;
	[tilespmem:$0x18400] =	vst v63  }
0x111: {  	s19 =	sadd.s32 $0x60, s19;
	s24 =	sadd.s32 $0x3000, s24;
	s20 =	simm.s32 $0x10400  }
0x112: {  	[tilespmem:s30], [sflag:$0x1] =	stream.indirect_vreg.gather [hbm4b:s26+s3], $0x80, v2, vm0, $0xb8;
	[tilespmem:$0x18400] =	vst v63  }
0x113: {  	_ =	swait.ge [sflag:s22], $0x8000  }
0x114: {  	[sflag:s22] =	ssyncset.done $0x0  }
0x115: {  	s0 =	simm.s32 $0x400;
	s19 =	rddreg [dreg:$0x5];
	[sflag:s22] =	ssyncadd.s32 $0xFFFF8000  }
0x116: {  	[hbm4b:s19+s3] =	stream.linear.scatter [tilespmem:s0], [sflag:$0x2], $0x8000, $0x38;
	[tilespmem:$0x18400] =	vst v63  }
0x117: {  	_ =	swait.ge [sflag:s4], $0x8000  }
0x118: {  	[sflag:s4] =	ssyncset.done $0x0  }
0x119: {  	[sflag:s4] =	ssyncadd.s32 $0xFFFF8000  }
0x11a: {  	v2 =	vld.msk [tilespmem:$0x3F0], $0xff;
	_ =	sdelay $0x4  }
0x11b: {  	v3 =	vshll.u32 v2, $0x5  }
0x11c: {  	v2 =	vand.u32 $0x7, v2;
	v3 =	vand.u32 $0xFFFFFF00, v3  }
0x11d: {  	v2 =	vor.u32 v2, v3  }
0x11e: {  	v2 =	vperm.xlane v2, v0;
	_ =	sdelay $0x1  }
0x11f: {  	v2 =	vadd.s32 v1, v2;
	_ =	sdelay $0x4  }
0x120: {  	[tilespmem:s0], [sflag:$0x1] =	stream.indirect_vreg.gather [hbm4b:s2+s3], $0x80, v2, vm0, $0xb8;
	[tilespmem:$0x18400] =	vst v63  }
0x121: {  	s23 =	simm.s32 $0xC00  }
0x122: {  	[tilespmem:s23], [sflag:$0x1] =	stream.indirect_vreg.gather [hbm4b:s5+s3], $0x80, v2, vm0, $0xb8;
	[tilespmem:$0x18400] =	vst v63  }
0x123: {  	s24 =	simm.s32 $0x1400  }
0x124: {  	[tilespmem:s24], [sflag:$0x1] =	stream.indirect_vreg.gather [hbm4b:s6+s3], $0x80, v2, vm0, $0xb8;
	[tilespmem:$0x18400] =	vst v63  }
0x125: {  	s25 =	simm.s32 $0x1C00  }
0x126: {  	[tilespmem:s25], [sflag:$0x1] =	stream.indirect_vreg.gather [hbm4b:s7+s3], $0x80, v2, vm0, $0xb8;
	[tilespmem:$0x18400] =	vst v63  }
0x127: {  	s1 =	simm.s32 $0x2400  }
0x128: {  	[tilespmem:s1], [sflag:$0x1] =	stream.indirect_vreg.gather [hbm4b:s8+s3], $0x80, v2, vm0, $0xb8;
	[tilespmem:$0x18400] =	vst v63  }
0x129: {  	s23 =	simm.s32 $0x2C00  }
0x12a: {  	[tilespmem:s23], [sflag:$0x1] =	stream.indirect_vreg.gather [hbm4b:s9+s3], $0x80, v2, vm0, $0xb8;
	[tilespmem:$0x18400] =	vst v63  }
0x12b: {  	s24 =	simm.s32 $0x3400  }
0x12c: {  	[tilespmem:s24], [sflag:$0x1] =	stream.indirect_vreg.gather [hbm4b:s10+s3], $0x80, v2, vm0, $0xb8;
	[tilespmem:$0x18400] =	vst v63  }
0x12d: {  	s25 =	simm.s32 $0x3C00  }
0x12e: {  	[tilespmem:s25], [sflag:$0x1] =	stream.indirect_vreg.gather [hbm4b:s11+s3], $0x80, v2, vm0, $0xb8;
	[tilespmem:$0x18400] =	vst v63  }
0x12f: {  	s1 =	simm.s32 $0x4400  }
0x130: {  	[tilespmem:s1], [sflag:$0x1] =	stream.indirect_vreg.gather [hbm4b:s12+s3], $0x80, v2, vm0, $0xb8;
	[tilespmem:$0x18400] =	vst v63  }
0x131: {  	s23 =	simm.s32 $0x4C00  }
0x132: {  	[tilespmem:s23], [sflag:$0x1] =	stream.indirect_vreg.gather [hbm4b:s13+s3], $0x80, v2, vm0, $0xb8;
	[tilespmem:$0x18400] =	vst v63  }
0x133: {  	s24 =	simm.s32 $0x5400  }
0x134: {  	[tilespmem:s24], [sflag:$0x1] =	stream.indirect_vreg.gather [hbm4b:s14+s3], $0x80, v2, vm0, $0xb8;
	[tilespmem:$0x18400] =	vst v63  }
0x135: {  	s25 =	simm.s32 $0x5C00  }
0x136: {  	[tilespmem:s25], [sflag:$0x1] =	stream.indirect_vreg.gather [hbm4b:s15+s3], $0x80, v2, vm0, $0xb8;
	[tilespmem:$0x18400] =	vst v63  }
0x137: {  	s1 =	simm.s32 $0x6400  }
0x138: {  	[tilespmem:s1], [sflag:$0x1] =	stream.indirect_vreg.gather [hbm4b:s16+s3], $0x80, v2, vm0, $0xb8;
	[tilespmem:$0x18400] =	vst v63  }
0x139: {  	s23 =	simm.s32 $0x6C00  }
0x13a: {  	[tilespmem:s23], [sflag:$0x1] =	stream.indirect_vreg.gather [hbm4b:s17+s3], $0x80, v2, vm0, $0xb8;
	[tilespmem:$0x18400] =	vst v63  }
0x13b: {  	s24 =	simm.s32 $0x7400  }
0x13c: {  	[tilespmem:s24], [sflag:$0x1] =	stream.indirect_vreg.gather [hbm4b:s18+s3], $0x80, v2, vm0, $0xb8;
	[tilespmem:$0x18400] =	vst v63  }
0x13d: {  	s25 =	simm.s32 $0x7C00  }
0x13e: {  	[tilespmem:s25], [sflag:$0x1] =	stream.indirect_vreg.gather [hbm4b:s26+s3], $0x80, v2, vm0, $0xb8;
	[tilespmem:$0x18400] =	vst v63  }
0x13f: {  	_ =	swait.ge [sflag:s22], $0x8000  }
0x140: {  	[sflag:s22] =	ssyncset.done $0x0  }
0x141: {  	s23 =	simm.s32 $0x8400;
	s1 =	rddreg [dreg:$0x6];
	[sflag:s22] =	ssyncadd.s32 $0xFFFF8000  }
0x142: {  	[hbm4b:s1+s3] =	stream.linear.scatter [tilespmem:s23], [sflag:$0x2], $0x8000, $0x38;
	[tilespmem:$0x18400] =	vst v63  }
0x143: {  	_ =	swait.ge [sflag:s4], $0x8000  }
0x144: {  	[sflag:s4] =	ssyncset.done $0x0  }
0x145: {  	[sflag:s4] =	ssyncadd.s32 $0xFFFF8000  }
0x146: {  	v2 =	vld.msk [tilespmem:$0x3F8], $0xff;
	_ =	sdelay $0x4  }
0x147: {  	v3 =	vshll.u32 v2, $0x5  }
0x148: {  	v2 =	vand.u32 $0x7, v2;
	v3 =	vand.u32 $0xFFFFFF00, v3  }
0x149: {  	v2 =	vor.u32 v2, v3  }
0x14a: {  	v2 =	vperm.xlane v2, v0;
	_ =	sdelay $0x1  }
0x14b: {  	v2 =	vadd.s32 v1, v2;
	_ =	sdelay $0x4  }
0x14c: {  	[tilespmem:s23], [sflag:$0x1] =	stream.indirect_vreg.gather [hbm4b:s2+s3], $0x80, v2, vm0, $0xb8;
	[tilespmem:$0x18400] =	vst v63  }
0x14d: {  	s24 =	simm.s32 $0x8C00  }
0x14e: {  	[tilespmem:s24], [sflag:$0x1] =	stream.indirect_vreg.gather [hbm4b:s5+s3], $0x80, v2, vm0, $0xb8;
	[tilespmem:$0x18400] =	vst v63  }
0x14f: {  	s25 =	simm.s32 $0x9400  }
0x150: {  	[tilespmem:s25], [sflag:$0x1] =	stream.indirect_vreg.gather [hbm4b:s6+s3], $0x80, v2, vm0, $0xb8;
	[tilespmem:$0x18400] =	vst v63  }
0x151: {  	s1 =	simm.s32 $0x9C00  }
0x152: {  	[tilespmem:s1], [sflag:$0x1] =	stream.indirect_vreg.gather [hbm4b:s7+s3], $0x80, v2, vm0, $0xb8;
	[tilespmem:$0x18400] =	vst v63  }
0x153: {  	s24 =	simm.s32 $0xA400  }
0x154: {  	[tilespmem:s24], [sflag:$0x1] =	stream.indirect_vreg.gather [hbm4b:s8+s3], $0x80, v2, vm0, $0xb8;
	[tilespmem:$0x18400] =	vst v63  }
0x155: {  	s25 =	simm.s32 $0xAC00  }
0x156: {  	[tilespmem:s25], [sflag:$0x1] =	stream.indirect_vreg.gather [hbm4b:s9+s3], $0x80, v2, vm0, $0xb8;
	[tilespmem:$0x18400] =	vst v63  }
0x157: {  	s1 =	simm.s32 $0xB400  }
0x158: {  	[tilespmem:s1], [sflag:$0x1] =	stream.indirect_vreg.gather [hbm4b:s10+s3], $0x80, v2, vm0, $0xb8;
	[tilespmem:$0x18400] =	vst v63  }
0x159: {  	s24 =	simm.s32 $0xBC00  }
0x15a: {  	[tilespmem:s24], [sflag:$0x1] =	stream.indirect_vreg.gather [hbm4b:s11+s3], $0x80, v2, vm0, $0xb8;
	[tilespmem:$0x18400] =	vst v63  }
0x15b: {  	s25 =	simm.s32 $0xC400  }
0x15c: {  	[tilespmem:s25], [sflag:$0x1] =	stream.indirect_vreg.gather [hbm4b:s12+s3], $0x80, v2, vm0, $0xb8;
	[tilespmem:$0x18400] =	vst v63  }
0x15d: {  	s1 =	simm.s32 $0xCC00  }
0x15e: {  	[tilespmem:s1], [sflag:$0x1] =	stream.indirect_vreg.gather [hbm4b:s13+s3], $0x80, v2, vm0, $0xb8;
	[tilespmem:$0x18400] =	vst v63  }
0x15f: {  	s24 =	simm.s32 $0xD400  }
0x160: {  	[tilespmem:s24], [sflag:$0x1] =	stream.indirect_vreg.gather [hbm4b:s14+s3], $0x80, v2, vm0, $0xb8;
	[tilespmem:$0x18400] =	vst v63  }
0x161: {  	s25 =	simm.s32 $0xDC00  }
0x162: {  	[tilespmem:s25], [sflag:$0x1] =	stream.indirect_vreg.gather [hbm4b:s15+s3], $0x80, v2, vm0, $0xb8;
	[tilespmem:$0x18400] =	vst v63  }
0x163: {  	s1 =	simm.s32 $0xE400  }
0x164: {  	[tilespmem:s1], [sflag:$0x1] =	stream.indirect_vreg.gather [hbm4b:s16+s3], $0x80, v2, vm0, $0xb8;
	[tilespmem:$0x18400] =	vst v63  }
0x165: {  	s24 =	simm.s32 $0xEC00  }
0x166: {  	[tilespmem:s24], [sflag:$0x1] =	stream.indirect_vreg.gather [hbm4b:s17+s3], $0x80, v2, vm0, $0xb8;
	[tilespmem:$0x18400] =	vst v63  }
0x167: {  	s25 =	simm.s32 $0xF400  }
0x168: {  	[tilespmem:s25], [sflag:$0x1] =	stream.indirect_vreg.gather [hbm4b:s18+s3], $0x80, v2, vm0, $0xb8;
	[tilespmem:$0x18400] =	vst v63  }
0x169: {  	s1 =	simm.s32 $0xFC00  }
0x16a: {  	[tilespmem:s1], [sflag:$0x1] =	stream.indirect_vreg.gather [hbm4b:s26+s3], $0x80, v2, vm0, $0xb8;
	[tilespmem:$0x18400] =	vst v63  }
0x16b: {  	_ =	swait.ge [sflag:s22], $0x8000  }
0x16c: {  	[sflag:s22] =	ssyncset.done $0x0  }
0x16d: {  	s24 =	rddreg [dreg:$0x7];
	[sflag:s22] =	ssyncadd.s32 $0xFFFF8000  }
0x16e: {  	[hbm4b:s24+s3] =	stream.linear.scatter [tilespmem:s20], [sflag:$0x2], $0x8000, $0x38;
	[tilespmem:$0x18400] =	vst v63  }
0x16f: {  	_ =	swait.ge [sflag:s4], $0x8000  }
0x170: {  	[sflag:s4] =	ssyncset.done $0x0  }
0x171: {  	[sflag:s4] =	ssyncadd.s32 $0xFFFF8000  }
0x172: {  	_ =	swait.ge [sflag:s22], $0x8000  }
0x173: {  	[sflag:s22] =	ssyncset.done $0x0  }
0x174: {  	s25 =	rddreg [dreg:$0x9];
	[sflag:s22] =	ssyncadd.s32 $0xFFFF8000  }
0x175: {  	[hbm4b:s25+s3] =	stream.linear.scatter [tilespmem:s0], [sflag:$0x2], $0x8000, $0x38;
	[tilespmem:$0x18400] =	vst v63  }
0x176: {  	_ =	swait.ge [sflag:s4], $0x8000  }
0x177: {  	[sflag:s4] =	ssyncset.done $0x0  }
0x178: {  	[sflag:s4] =	ssyncadd.s32 $0xFFFF8000  }
0x179: {  	_ =	swait.ge [sflag:s22], $0x8000  }
0x17a: {  	[sflag:s22] =	ssyncset.done $0x0  }
0x17b: {  	s0 =	rddreg [dreg:$0xa];
	[sflag:s22] =	ssyncadd.s32 $0xFFFF8000  }
0x17c: {  	[hbm4b:s0+s3] =	stream.linear.scatter [tilespmem:s23], [sflag:$0x2], $0x8000, $0x38;
	[tilespmem:$0x18400] =	vst v63  }
0x17d: {  	_ =	swait.ge [sflag:s4], $0x8000  }
0x17e: {  	s24 =	rddreg [dreg:$0xc]  }
0x17f: {  	s25 =	rddreg [dreg:$0xb];
	s0 =	sadd.s32 $0x1, s24  }
0x180: {  	p0 =	sne.s32 s0, s25  }
.Ltmp1:
0x181: {  	_ = 	snop;
	(pc) =	sbr.rel @p0 .LBB2_1-.Ltmp1, $4  }
0x182: {  	s31 =	simm.s32 $0x400;
	s30 =	simm.s32 $0x12C00  }
0x183: {  	s29 =	simm.s32 $0x14400;
	s1 =	simm.s32 $0x8400;
	[sflag:s4] =	ssyncset.done $0x0  }
0x184: {  	s23 =	simm.s32 $0x13400;
	[sflag:s4] =	ssyncadd.s32 $0xFFFF8000;
	s24 =	simm.s32 $0x11C00  }
0x185: {  	[dreg:$0xc] =	wrdreg s0;
	s25 =	simm.s32 $0x12400;
	s0 =	simm.s32 $0x13C00  }
0x186: {  	_ =	sfence.sel $0x180000  }
0x187: {  	[bflag:$0x0] =	sbarrier.arrive $0xFFFF  }
0x188: {  	_ =	strace $0x90000047  }
0x189: {  	s0 =	stileid.u32;
	[bflag:$0x2] =	sbarrier.arrive $0xFFFF  }
0x18a: {  	p0 =	sne.s32 s0, $0x0;
	s0 =	rddreg [dreg:$0x3]  }
0x18b: {  	s0 =	sadd.s32 @!p0 $0x100000, s0  }
0x18c: {  	[sflag:s0] =	ssyncadd.tile.s32 @!p0 $0x1;
	_ =	shalt  }
.Lfunc_end2:
_tile_overlayer_lowered:
.L_overlay_start_2:
0x18d: {  	(tag) =	ssettag $0x2  }
0x18e: {  	s0 =	rddreg [dreg:$0x0];
	s2 =	stileid.u32  }
0x18f: {  	s1 =	rddreg [dreg:$0x1];
	p0 =	sne.s32 s2, $0x0  }
0x190: {  	s3 =	rddreg [dreg:$0x2];
	[bflag:$0x3] =	sbarrier.arrive $0xFFFF;
	s2 =	simm.s32 @!p0 $0x1C03  }
0x191: {  	[timem:s3], [sflag:s2] =	dma.local @!p0 [hbm:s0], s1  }
0x192: {  	s0 =	simm.s32 @!p0 $0x3  }
0x193: {  	_ =	swait.ge @!p0 [sflag:s0], s1  }
0x194: {  	s1 =	ssub.s32 @!p0 $0x0, s1;
	[sflag:s0] =	ssyncset.done @!p0 $0x0  }
0x195: {  	[sflag:s0] =	ssyncadd.s32 @!p0 s1  }
0x196: {  	[bflag:$0x3] =	sbarrier.arrive $0xFFFF  }
0x197: {  	_ =	shalt  }

</sc_bundles>
